<compile_context>
chip_gen: v7x
topology: tpu7x:2x2x1
jax: 0.10.2.dev20260603
libtpu: 0.0.44.dev20260713+nightly
codegen_flags: <defaults>
</compile_context>

<pallas_src>
import functools

import jax
import jax.numpy as jnp
from jax import lax
from jax.experimental import pallas as pl
from jax.experimental.pallas import tpu as pltpu
from jax.experimental.pallas import tpu_sc as plsc

NUM_FIELDS = 26
VOCAB = 100000
EMB_DIM = 32
BATCH = 16384

NC = 2
NS = 16
NW = NC * NS

OCHUNK = 2048
NOCH = BATCH // OCHUNK
LANES = 16
GRP_PER_CHUNK = OCHUNK // LANES


def _build_kernel():
  mesh = plsc.VectorSubcoreMesh(
      core_axis_name="c", subcore_axis_name="s",
      num_cores=NC, num_subcores=NS)

  @functools.partial(
      pl.kernel,
      out_type=jax.ShapeDtypeStruct((NUM_FIELDS * EMB_DIM, BATCH), jnp.float32),
      mesh=mesh,
      scratch_types=[
          pltpu.VMEM((VOCAB,), jnp.float32),
          pltpu.VMEM((BATCH,), jnp.int32),
          [pltpu.VMEM((OCHUNK,), jnp.float32) for _ in range(2)],
          pltpu.SemaphoreType.DMA,
          pltpu.SemaphoreType.DMA,
          [pltpu.SemaphoreType.DMA for _ in range(2)],
      ],
      compiler_params=pltpu.CompilerParams(
          use_tc_tiling_on_sc=True, needs_layout_passes=False),
  )
  def emb_gather(idx_hbm, table_hbm, out_hbm, rowbuf, idxbuf, obufs,
                 isem, lsem, osems):
    wid = lax.axis_index("s") * NC + lax.axis_index("c")

    def field(k, carry):
      r = wid * NUM_FIELDS + k
      t = r // EMB_DIM
      fresh_field = jnp.logical_or(k == 0, r % EMB_DIM == 0)

      @pl.when(fresh_field)
      def _():
        pltpu.async_copy(idx_hbm.at[t], idxbuf, isem)
      pltpu.async_copy(table_hbm.at[r], rowbuf, lsem).wait()

      @pl.when(fresh_field)
      def _():
        pltpu.make_async_copy(idx_hbm.at[t], idxbuf, isem).wait()

      for c in range(NOCH):
        b = c % 2
        if c >= 2:
          pltpu.make_async_copy(
              obufs[b], out_hbm.at[r, pl.ds((c - 2) * OCHUNK, OCHUNK)],
              osems[b]).wait()

        if False:
          pass
        else:
          @plsc.parallel_loop(0, GRP_PER_CHUNK, unroll=8)
          def grp(g):
            iv = idxbuf[pl.ds(c * OCHUNK + g * LANES, LANES)]
            obufs[b][pl.ds(g * LANES, LANES)] = plsc.load_gather(rowbuf, [iv])
        pltpu.async_copy(obufs[b], out_hbm.at[r, pl.ds(c * OCHUNK, OCHUNK)],
                         osems[b])

      for c in (NOCH - 2, NOCH - 1):
        pltpu.make_async_copy(
            obufs[c % 2], out_hbm.at[r, pl.ds(c * OCHUNK, OCHUNK)],
            osems[c % 2]).wait()
      return carry

    lax.fori_loop(0, NUM_FIELDS, field, 0)

  return emb_gather


_EMB_KERNEL = _build_kernel()


@jax.jit
def kernel(x_cat_ids, tables):
  idx_t = x_cat_ids.T.astype(jnp.int32)
  table_rows = tables.transpose(0, 2, 1).reshape(
      NUM_FIELDS * EMB_DIM, VOCAB)
  out_t = _EMB_KERNEL(idx_t, table_rows)
  return out_t.T

# --- scband reference (transcript-rebuilt; emitter-appended) ---
"""Pipeline reference for scband-embedding-block-1838246003109 (READ-ONLY COPY).

The authoritative reference and input builder live on the scoring server;
editing this copy changes nothing except your own understanding.
"""

import jax, jax.numpy as jnp
import numpy as np

NUM_FIELDS = 26
VOCAB = 100000
EMB_DIM = 32
BATCH = 16384


def setup_inputs(seed: int = 0) -> dict:
    key = jax.random.key(seed)
    k1, k2 = jax.random.split(key)
    x_cat_ids = jax.random.randint(k1, (BATCH, NUM_FIELDS), 0, VOCAB, dtype=jnp.int64 if jax.config.jax_enable_x64 else jnp.int32)
    # One embedding table per categorical field; all fields share vocab/dim here,
    # so we stack them as tables[j] == emb_layers[j].weight.
    tables = jax.random.normal(k2, (NUM_FIELDS, VOCAB, EMB_DIM), dtype=jnp.float32) * 0.01
    return {"x_cat_ids": x_cat_ids, "tables": tables}


def reference(x_cat_ids, tables):
    # Per-field embedding lookup followed by concat along feature dim,
    # matching EmbeddingBlock.forward.
    embs = [jnp.take(tables[j], x_cat_ids[:, j], axis=0) for j in range(NUM_FIELDS)]
    return jnp.concatenate(embs, axis=1)

if __name__ == "__main__":
    import jax
    _d = setup_inputs()
    print(jax.jit(kernel)(*tuple(_d.values())))

</pallas_src>

<mosaic_0001>
#map = affine_map<(d0, d1) -> (0, 0)>
module attributes {stable_mosaic.version = 14 : i64} {
  func.func @emb_gather(%arg0: i32, %arg1: i32, %arg2: memref<26x16384xi32, #tpu.memory_space<hbm>>, %arg3: memref<832x100000xf32, #tpu.memory_space<hbm>>, %arg4: memref<832x16384xf32, #tpu.memory_space<hbm>>, %arg5: memref<100000xf32, #tpu.memory_space<vmem>>, %arg6: memref<16384xi32, #tpu.memory_space<vmem>>, %arg7: memref<2048xf32, #tpu.memory_space<vmem>>, %arg8: memref<2048xf32, #tpu.memory_space<vmem>>, %arg9: memref<!tpu.dma_semaphore, #tpu.memory_space<semaphore_mem>>, %arg10: memref<!tpu.dma_semaphore, #tpu.memory_space<semaphore_mem>>, %arg11: memref<!tpu.dma_semaphore, #tpu.memory_space<semaphore_mem>>, %arg12: memref<!tpu.dma_semaphore, #tpu.memory_space<semaphore_mem>>) attributes {dimension_semantics = [#tpu.dimension_semantics<core_parallel>, #tpu.dimension_semantics<subcore_parallel>], iteration_bounds = array<i64: 2, 16>, scalar_prefetch = 0 : i64, scratch_operands = 8 : i64, tpu.core_type = #tpu.core_type<sc_vector_subcore>, window_params = [{transform_indices = #map}, {transform_indices = #map}, {transform_indices = #map}]} {
    %mul3A = arith.constant 2 : i32
    %mul3A_0 = arith.muli %arg1, %mul3A : i32
    %add3A = arith.addi %mul3A_0, %arg0 : i32
    %scan3A = arith.constant 0 : i32
    %scan3A_1 = arith.constant 0 : i32
    %scan3A_2 = arith.constant 26 : i32
    %scan3A_3 = arith.addi %scan3A_1, %scan3A_2 : i32
    %scan3A_4 = arith.constant 1 : i32
    scf.for %scan3A_6 = %scan3A_1 to %scan3A_3 step %scan3A_4  : i32 {
      %mul3A_7 = arith.constant 26 : i32
      %mul3A_8 = arith.muli %add3A, %mul3A_7 : i32
      %add3A_9 = arith.addi %mul3A_8, %scan3A_6 : i32
      %jit3A = arith.constant 32 : i32
      %div3A = arith.divsi %add3A_9, %jit3A : i32
      %sign3A = arith.constant 0 : i32
      %sign3A_10 = arith.cmpi sgt, %add3A_9, %sign3A : i32
      %sign3A_11 = arith.extui %sign3A_10 : i1 to i32
      %sign3A_12 = arith.constant 0 : i32
      %sign3A_13 = arith.cmpi slt, %add3A_9, %sign3A_12 : i32
      %sign3A_14 = arith.extui %sign3A_13 : i1 to i32
      %sign3A_15 = arith.subi %sign3A_11, %sign3A_14 : i32
      %sign3A_16 = arith.constant 0 : i32
      %sign3A_17 = arith.cmpi sgt, %jit3A, %sign3A_16 : i32
      %sign3A_18 = arith.extui %sign3A_17 : i1 to i32
      %sign3A_19 = arith.constant 0 : i32
      %sign3A_20 = arith.cmpi slt, %jit3A, %sign3A_19 : i32
      %sign3A_21 = arith.extui %sign3A_20 : i1 to i32
      %sign3A_22 = arith.subi %sign3A_18, %sign3A_21 : i32
      %ne3A = arith.cmpi ne, %sign3A_15, %sign3A_22 : i32
      %rem3A = arith.remsi %add3A_9, %jit3A : i32
      %ne3A_23 = arith.constant 0 : i32
      %ne3A_24 = arith.cmpi ne, %rem3A, %ne3A_23 : i32
      %and3A = arith.andi %ne3A, %ne3A_24 : i1
      %sub3A = arith.constant 1 : i32
      %sub3A_25 = arith.subi %div3A, %sub3A : i32
      %select_n3A = arith.select %and3A, %sub3A_25, %div3A : i32
      %eq3A = arith.constant 0 : i32
      %eq3A_26 = arith.cmpi eq, %scan3A_6, %eq3A : i32
      %jit3A_27 = arith.constant 32 : i32
      %eq3A_28 = arith.constant 0 : i32
      %eq3A_29 = arith.cmpi eq, %jit3A_27, %eq3A_28 : i32
      %jit3A_30 = arith.constant 1 : i32
      %select_n3A_31 = arith.select %eq3A_29, %jit3A_30, %jit3A_27 : i32
      %rem3A_32 = arith.remsi %add3A_9, %select_n3A_31 : i32
      %ne3A_33 = arith.constant 0 : i32
      %ne3A_34 = arith.cmpi ne, %rem3A_32, %ne3A_33 : i32
      %lt3A = arith.constant 0 : i32
      %lt3A_35 = arith.cmpi slt, %rem3A_32, %lt3A : i32
      %lt3A_36 = arith.constant 0 : i32
      %lt3A_37 = arith.cmpi slt, %select_n3A_31, %lt3A_36 : i32
      %ne3A_38 = arith.xori %lt3A_35, %lt3A_37 : i1
      %and3A_39 = arith.andi %ne3A_38, %ne3A_34 : i1
      %add3A_40 = arith.addi %rem3A_32, %select_n3A_31 : i32
      %select_n3A_41 = arith.select %and3A_39, %add3A_40, %rem3A_32 : i32
      %eq3A_42 = arith.constant 0 : i32
      %eq3A_43 = arith.cmpi eq, %select_n3A_41, %eq3A_42 : i32
      %or3A = arith.ori %eq3A_26, %eq3A_43 : i1
      %convert_element_type3A = arith.extui %or3A : i1 to i32
      %cond3A = arith.constant 0 : i32
      %cond3A_44 = arith.cmpi ne, %convert_element_type3A, %cond3A : i32
      scf.if %cond3A_44 {
        %dma_start3A_177 = arith.constant 0 : i32
        %dma_start3A_178 = tpu.memref_slice %arg2[%select_n3A, %dma_start3A_177] : memref<26x16384xi32, #tpu.memory_space<hbm>> -> memref<1x16384xi32, #tpu.memory_space<hbm>>
        %dma_start3A_179 = tpu.memref_squeeze %dma_start3A_178 : memref<1x16384xi32, #tpu.memory_space<hbm>> -> memref<16384xi32, #tpu.memory_space<hbm>>
        %dma_start3A_180 = arith.constant 0 : i32
        %dma_start3A_181 = tpu.memref_slice %arg2[%select_n3A, %dma_start3A_180] : memref<26x16384xi32, #tpu.memory_space<hbm>> -> memref<1x16384xi32, #tpu.memory_space<hbm>>
        %dma_start3A_182 = tpu.memref_squeeze %dma_start3A_181 : memref<1x16384xi32, #tpu.memory_space<hbm>> -> memref<16384xi32, #tpu.memory_space<hbm>>
        tpu.enqueue_dma source(%dma_start3A_182 : memref<16384xi32, #tpu.memory_space<hbm>>) target(%arg6 : memref<16384xi32, #tpu.memory_space<vmem>>) target_semaphore(%arg9 : memref<!tpu.dma_semaphore, #tpu.memory_space<semaphore_mem>>)
      } else {
      }
      %dma_start3A = arith.constant 0 : i32
      %dma_start3A_45 = tpu.memref_slice %arg3[%add3A_9, %dma_start3A] : memref<832x100000xf32, #tpu.memory_space<hbm>> -> memref<1x100000xf32, #tpu.memory_space<hbm>>
      %dma_start3A_46 = tpu.memref_squeeze %dma_start3A_45 : memref<1x100000xf32, #tpu.memory_space<hbm>> -> memref<100000xf32, #tpu.memory_space<hbm>>
      %dma_start3A_47 = arith.constant 0 : i32
      %dma_start3A_48 = tpu.memref_slice %arg3[%add3A_9, %dma_start3A_47] : memref<832x100000xf32, #tpu.memory_space<hbm>> -> memref<1x100000xf32, #tpu.memory_space<hbm>>
      %dma_start3A_49 = tpu.memref_squeeze %dma_start3A_48 : memref<1x100000xf32, #tpu.memory_space<hbm>> -> memref<100000xf32, #tpu.memory_space<hbm>>
      tpu.enqueue_dma source(%dma_start3A_49 : memref<100000xf32, #tpu.memory_space<hbm>>) target(%arg5 : memref<100000xf32, #tpu.memory_space<vmem>>) target_semaphore(%arg10 : memref<!tpu.dma_semaphore, #tpu.memory_space<semaphore_mem>>)
      %dma_wait3A = arith.constant 0 : i32
      %dma_wait3A_50 = tpu.memref_slice %arg3[%add3A_9, %dma_wait3A] : memref<832x100000xf32, #tpu.memory_space<hbm>> -> memref<1x100000xf32, #tpu.memory_space<hbm>>
      %dma_wait3A_51 = tpu.memref_squeeze %dma_wait3A_50 : memref<1x100000xf32, #tpu.memory_space<hbm>> -> memref<100000xf32, #tpu.memory_space<hbm>>
      %dma_wait3A_52 = arith.constant 0 : i32
      %dma_wait3A_53 = tpu.memref_slice %arg3[%add3A_9, %dma_wait3A_52] : memref<832x100000xf32, #tpu.memory_space<hbm>> -> memref<1x100000xf32, #tpu.memory_space<hbm>>
      %dma_wait3A_54 = tpu.memref_squeeze %dma_wait3A_53 : memref<1x100000xf32, #tpu.memory_space<hbm>> -> memref<100000xf32, #tpu.memory_space<hbm>>
      tpu.wait_dma2 semaphore(%arg10 : memref<!tpu.dma_semaphore, #tpu.memory_space<semaphore_mem>>) src(%dma_wait3A_54 : memref<100000xf32, #tpu.memory_space<hbm>>) dst(%arg5 : memref<100000xf32, #tpu.memory_space<vmem>>)
      %convert_element_type3A_55 = arith.extui %or3A : i1 to i32
      %cond3A_56 = arith.constant 0 : i32
      %cond3A_57 = arith.cmpi ne, %convert_element_type3A_55, %cond3A_56 : i32
      scf.if %cond3A_57 {
        %dma_wait3A_177 = arith.constant 0 : i32
        %dma_wait3A_178 = tpu.memref_slice %arg2[%select_n3A, %dma_wait3A_177] : memref<26x16384xi32, #tpu.memory_space<hbm>> -> memref<1x16384xi32, #tpu.memory_space<hbm>>
        %dma_wait3A_179 = tpu.memref_squeeze %dma_wait3A_178 : memref<1x16384xi32, #tpu.memory_space<hbm>> -> memref<16384xi32, #tpu.memory_space<hbm>>
        %dma_wait3A_180 = arith.constant 0 : i32
        %dma_wait3A_181 = tpu.memref_slice %arg2[%select_n3A, %dma_wait3A_180] : memref<26x16384xi32, #tpu.memory_space<hbm>> -> memref<1x16384xi32, #tpu.memory_space<hbm>>
        %dma_wait3A_182 = tpu.memref_squeeze %dma_wait3A_181 : memref<1x16384xi32, #tpu.memory_space<hbm>> -> memref<16384xi32, #tpu.memory_space<hbm>>
        tpu.wait_dma2 semaphore(%arg9 : memref<!tpu.dma_semaphore, #tpu.memory_space<semaphore_mem>>) src(%dma_wait3A_182 : memref<16384xi32, #tpu.memory_space<hbm>>) dst(%arg6 : memref<16384xi32, #tpu.memory_space<vmem>>)
      } else {
      }
      %parallel_loop3A = arith.constant 0 : i32
      %parallel_loop3A_58 = arith.constant 128 : i32
      %parallel_loop3A_59 = arith.constant 1 : i32
      scf.for %parallel_loop3A_177 = %parallel_loop3A to %parallel_loop3A_58 step %parallel_loop3A_59  : i32 {
        %parallel_loop3A_178 = arith.constant 16 : i32
        %parallel_loop3A_179 = arith.muli %parallel_loop3A_177, %parallel_loop3A_178 : i32
        %parallel_loop3A_180 = arith.constant 0 : i32
        %parallel_loop3A_181 = arith.addi %parallel_loop3A_180, %parallel_loop3A_179 : i32
        %parallel_loop3A_182 = arith.index_cast %parallel_loop3A_181 : i32 to index
        %parallel_loop3A_183 = tpu.vector_load %arg6[%parallel_loop3A_182] {strides = array<i32>} : memref<16384xi32, #tpu.memory_space<vmem>>, vector<16xi32>,
        %parallel_loop3A_184 = tpu.vector_load_idx %arg5[%parallel_loop3A_183] : memref<100000xf32, #tpu.memory_space<vmem>>[vector<16xi32>], vector<16xf32>,
        %parallel_loop3A_185 = arith.constant 16 : i32
        %parallel_loop3A_186 = arith.muli %parallel_loop3A_177, %parallel_loop3A_185 : i32
        %parallel_loop3A_187 = arith.index_cast %parallel_loop3A_186 : i32 to index
        %parallel_loop3A_188 = tpu.vector_load %arg7[%parallel_loop3A_187] {strides = array<i32>} : memref<2048xf32, #tpu.memory_space<vmem>>, vector<16xf32>,
        tpu.vector_store %arg7[%parallel_loop3A_187], %parallel_loop3A_184 {strides = array<i32>} : memref<2048xf32, #tpu.memory_space<vmem>>, vector<16xf32>,
      } {sc.loop_unroll_factor = 8 : i64, sc.parallel_access}
      %dma_start3A_60 = arith.constant 0 : i32
      %dma_start3A_61 = tpu.memref_slice %arg4[%add3A_9, %dma_start3A_60] : memref<832x16384xf32, #tpu.memory_space<hbm>> -> memref<1x2048xf32, #tpu.memory_space<hbm>>
      %dma_start3A_62 = tpu.memref_squeeze %dma_start3A_61 : memref<1x2048xf32, #tpu.memory_space<hbm>> -> memref<2048xf32, #tpu.memory_space<hbm>>
      %dma_start3A_63 = arith.constant 0 : i32
      %dma_start3A_64 = tpu.memref_slice %arg4[%add3A_9, %dma_start3A_63] : memref<832x16384xf32, #tpu.memory_space<hbm>> -> memref<1x2048xf32, #tpu.memory_space<hbm>>
      %dma_start3A_65 = tpu.memref_squeeze %dma_start3A_64 : memref<1x2048xf32, #tpu.memory_space<hbm>> -> memref<2048xf32, #tpu.memory_space<hbm>>
      tpu.enqueue_dma source(%arg7 : memref<2048xf32, #tpu.memory_space<vmem>>) target(%dma_start3A_65 : memref<2048xf32, #tpu.memory_space<hbm>>) target_semaphore(%arg11 : memref<!tpu.dma_semaphore, #tpu.memory_space<semaphore_mem>>)
      %parallel_loop3A_66 = arith.constant 0 : i32
      %parallel_loop3A_67 = arith.constant 128 : i32
      %parallel_loop3A_68 = arith.constant 1 : i32
      scf.for %parallel_loop3A_177 = %parallel_loop3A_66 to %parallel_loop3A_67 step %parallel_loop3A_68  : i32 {
        %parallel_loop3A_178 = arith.constant 16 : i32
        %parallel_loop3A_179 = arith.muli %parallel_loop3A_177, %parallel_loop3A_178 : i32
        %parallel_loop3A_180 = arith.constant 2048 : i32
        %parallel_loop3A_181 = arith.addi %parallel_loop3A_180, %parallel_loop3A_179 : i32
        %parallel_loop3A_182 = arith.index_cast %parallel_loop3A_181 : i32 to index
        %parallel_loop3A_183 = tpu.vector_load %arg6[%parallel_loop3A_182] {strides = array<i32>} : memref<16384xi32, #tpu.memory_space<vmem>>, vector<16xi32>,
        %parallel_loop3A_184 = tpu.vector_load_idx %arg5[%parallel_loop3A_183] : memref<100000xf32, #tpu.memory_space<vmem>>[vector<16xi32>], vector<16xf32>,
        %parallel_loop3A_185 = arith.constant 16 : i32
        %parallel_loop3A_186 = arith.muli %parallel_loop3A_177, %parallel_loop3A_185 : i32
        %parallel_loop3A_187 = arith.index_cast %parallel_loop3A_186 : i32 to index
        %parallel_loop3A_188 = tpu.vector_load %arg8[%parallel_loop3A_187] {strides = array<i32>} : memref<2048xf32, #tpu.memory_space<vmem>>, vector<16xf32>,
        tpu.vector_store %arg8[%parallel_loop3A_187], %parallel_loop3A_184 {strides = array<i32>} : memref<2048xf32, #tpu.memory_space<vmem>>, vector<16xf32>,
      } {sc.loop_unroll_factor = 8 : i64, sc.parallel_access}
      %dma_start3A_69 = arith.constant 2048 : i32
      %dma_start3A_70 = tpu.memref_slice %arg4[%add3A_9, %dma_start3A_69] : memref<832x16384xf32, #tpu.memory_space<hbm>> -> memref<1x2048xf32, #tpu.memory_space<hbm>>
      %dma_start3A_71 = tpu.memref_squeeze %dma_start3A_70 : memref<1x2048xf32, #tpu.memory_space<hbm>> -> memref<2048xf32, #tpu.memory_space<hbm>>
      %dma_start3A_72 = arith.constant 2048 : i32
      %dma_start3A_73 = tpu.memref_slice %arg4[%add3A_9, %dma_start3A_72] : memref<832x16384xf32, #tpu.memory_space<hbm>> -> memref<1x2048xf32, #tpu.memory_space<hbm>>
      %dma_start3A_74 = tpu.memref_squeeze %dma_start3A_73 : memref<1x2048xf32, #tpu.memory_space<hbm>> -> memref<2048xf32, #tpu.memory_space<hbm>>
      tpu.enqueue_dma source(%arg8 : memref<2048xf32, #tpu.memory_space<vmem>>) target(%dma_start3A_74 : memref<2048xf32, #tpu.memory_space<hbm>>) target_semaphore(%arg12 : memref<!tpu.dma_semaphore, #tpu.memory_space<semaphore_mem>>)
      %dma_wait3A_75 = arith.constant 0 : i32
      %dma_wait3A_76 = tpu.memref_slice %arg4[%add3A_9, %dma_wait3A_75] : memref<832x16384xf32, #tpu.memory_space<hbm>> -> memref<1x2048xf32, #tpu.memory_space<hbm>>
      %dma_wait3A_77 = tpu.memref_squeeze %dma_wait3A_76 : memref<1x2048xf32, #tpu.memory_space<hbm>> -> memref<2048xf32, #tpu.memory_space<hbm>>
      %dma_wait3A_78 = arith.constant 0 : i32
      %dma_wait3A_79 = tpu.memref_slice %arg4[%add3A_9, %dma_wait3A_78] : memref<832x16384xf32, #tpu.memory_space<hbm>> -> memref<1x2048xf32, #tpu.memory_space<hbm>>
      %dma_wait3A_80 = tpu.memref_squeeze %dma_wait3A_79 : memref<1x2048xf32, #tpu.memory_space<hbm>> -> memref<2048xf32, #tpu.memory_space<hbm>>
      tpu.wait_dma2 semaphore(%arg11 : memref<!tpu.dma_semaphore, #tpu.memory_space<semaphore_mem>>) src(%arg7 : memref<2048xf32, #tpu.memory_space<vmem>>) dst(%dma_wait3A_80 : memref<2048xf32, #tpu.memory_space<hbm>>)
      %parallel_loop3A_81 = arith.constant 0 : i32
      %parallel_loop3A_82 = arith.constant 128 : i32
      %parallel_loop3A_83 = arith.constant 1 : i32
      scf.for %parallel_loop3A_177 = %parallel_loop3A_81 to %parallel_loop3A_82 step %parallel_loop3A_83  : i32 {
        %parallel_loop3A_178 = arith.constant 16 : i32
        %parallel_loop3A_179 = arith.muli %parallel_loop3A_177, %parallel_loop3A_178 : i32
        %parallel_loop3A_180 = arith.constant 4096 : i32
        %parallel_loop3A_181 = arith.addi %parallel_loop3A_180, %parallel_loop3A_179 : i32
        %parallel_loop3A_182 = arith.index_cast %parallel_loop3A_181 : i32 to index
        %parallel_loop3A_183 = tpu.vector_load %arg6[%parallel_loop3A_182] {strides = array<i32>} : memref<16384xi32, #tpu.memory_space<vmem>>, vector<16xi32>,
        %parallel_loop3A_184 = tpu.vector_load_idx %arg5[%parallel_loop3A_183] : memref<100000xf32, #tpu.memory_space<vmem>>[vector<16xi32>], vector<16xf32>,
        %parallel_loop3A_185 = arith.constant 16 : i32
        %parallel_loop3A_186 = arith.muli %parallel_loop3A_177, %parallel_loop3A_185 : i32
        %parallel_loop3A_187 = arith.index_cast %parallel_loop3A_186 : i32 to index
        %parallel_loop3A_188 = tpu.vector_load %arg7[%parallel_loop3A_187] {strides = array<i32>} : memref<2048xf32, #tpu.memory_space<vmem>>, vector<16xf32>,
        tpu.vector_store %arg7[%parallel_loop3A_187], %parallel_loop3A_184 {strides = array<i32>} : memref<2048xf32, #tpu.memory_space<vmem>>, vector<16xf32>,
      } {sc.loop_unroll_factor = 8 : i64, sc.parallel_access}
      %dma_start3A_84 = arith.constant 4096 : i32
      %dma_start3A_85 = tpu.memref_slice %arg4[%add3A_9, %dma_start3A_84] : memref<832x16384xf32, #tpu.memory_space<hbm>> -> memref<1x2048xf32, #tpu.memory_space<hbm>>
      %dma_start3A_86 = tpu.memref_squeeze %dma_start3A_85 : memref<1x2048xf32, #tpu.memory_space<hbm>> -> memref<2048xf32, #tpu.memory_space<hbm>>
      %dma_start3A_87 = arith.constant 4096 : i32
      %dma_start3A_88 = tpu.memref_slice %arg4[%add3A_9, %dma_start3A_87] : memref<832x16384xf32, #tpu.memory_space<hbm>> -> memref<1x2048xf32, #tpu.memory_space<hbm>>
      %dma_start3A_89 = tpu.memref_squeeze %dma_start3A_88 : memref<1x2048xf32, #tpu.memory_space<hbm>> -> memref<2048xf32, #tpu.memory_space<hbm>>
      tpu.enqueue_dma source(%arg7 : memref<2048xf32, #tpu.memory_space<vmem>>) target(%dma_start3A_89 : memref<2048xf32, #tpu.memory_space<hbm>>) target_semaphore(%arg11 : memref<!tpu.dma_semaphore, #tpu.memory_space<semaphore_mem>>)
      %dma_wait3A_90 = arith.constant 2048 : i32
      %dma_wait3A_91 = tpu.memref_slice %arg4[%add3A_9, %dma_wait3A_90] : memref<832x16384xf32, #tpu.memory_space<hbm>> -> memref<1x2048xf32, #tpu.memory_space<hbm>>
      %dma_wait3A_92 = tpu.memref_squeeze %dma_wait3A_91 : memref<1x2048xf32, #tpu.memory_space<hbm>> -> memref<2048xf32, #tpu.memory_space<hbm>>
      %dma_wait3A_93 = arith.constant 2048 : i32
      %dma_wait3A_94 = tpu.memref_slice %arg4[%add3A_9, %dma_wait3A_93] : memref<832x16384xf32, #tpu.memory_space<hbm>> -> memref<1x2048xf32, #tpu.memory_space<hbm>>
      %dma_wait3A_95 = tpu.memref_squeeze %dma_wait3A_94 : memref<1x2048xf32, #tpu.memory_space<hbm>> -> memref<2048xf32, #tpu.memory_space<hbm>>
      tpu.wait_dma2 semaphore(%arg12 : memref<!tpu.dma_semaphore, #tpu.memory_space<semaphore_mem>>) src(%arg8 : memref<2048xf32, #tpu.memory_space<vmem>>) dst(%dma_wait3A_95 : memref<2048xf32, #tpu.memory_space<hbm>>)
      %parallel_loop3A_96 = arith.constant 0 : i32
      %parallel_loop3A_97 = arith.constant 128 : i32
      %parallel_loop3A_98 = arith.constant 1 : i32
      scf.for %parallel_loop3A_177 = %parallel_loop3A_96 to %parallel_loop3A_97 step %parallel_loop3A_98  : i32 {
        %parallel_loop3A_178 = arith.constant 16 : i32
        %parallel_loop3A_179 = arith.muli %parallel_loop3A_177, %parallel_loop3A_178 : i32
        %parallel_loop3A_180 = arith.constant 6144 : i32
        %parallel_loop3A_181 = arith.addi %parallel_loop3A_180, %parallel_loop3A_179 : i32
        %parallel_loop3A_182 = arith.index_cast %parallel_loop3A_181 : i32 to index
        %parallel_loop3A_183 = tpu.vector_load %arg6[%parallel_loop3A_182] {strides = array<i32>} : memref<16384xi32, #tpu.memory_space<vmem>>, vector<16xi32>,
        %parallel_loop3A_184 = tpu.vector_load_idx %arg5[%parallel_loop3A_183] : memref<100000xf32, #tpu.memory_space<vmem>>[vector<16xi32>], vector<16xf32>,
        %parallel_loop3A_185 = arith.constant 16 : i32
        %parallel_loop3A_186 = arith.muli %parallel_loop3A_177, %parallel_loop3A_185 : i32
        %parallel_loop3A_187 = arith.index_cast %parallel_loop3A_186 : i32 to index
        %parallel_loop3A_188 = tpu.vector_load %arg8[%parallel_loop3A_187] {strides = array<i32>} : memref<2048xf32, #tpu.memory_space<vmem>>, vector<16xf32>,
        tpu.vector_store %arg8[%parallel_loop3A_187], %parallel_loop3A_184 {strides = array<i32>} : memref<2048xf32, #tpu.memory_space<vmem>>, vector<16xf32>,
      } {sc.loop_unroll_factor = 8 : i64, sc.parallel_access}
      %dma_start3A_99 = arith.constant 6144 : i32
      %dma_start3A_100 = tpu.memref_slice %arg4[%add3A_9, %dma_start3A_99] : memref<832x16384xf32, #tpu.memory_space<hbm>> -> memref<1x2048xf32, #tpu.memory_space<hbm>>
      %dma_start3A_101 = tpu.memref_squeeze %dma_start3A_100 : memref<1x2048xf32, #tpu.memory_space<hbm>> -> memref<2048xf32, #tpu.memory_space<hbm>>
      %dma_start3A_102 = arith.constant 6144 : i32
      %dma_start3A_103 = tpu.memref_slice %arg4[%add3A_9, %dma_start3A_102] : memref<832x16384xf32, #tpu.memory_space<hbm>> -> memref<1x2048xf32, #tpu.memory_space<hbm>>
      %dma_start3A_104 = tpu.memref_squeeze %dma_start3A_103 : memref<1x2048xf32, #tpu.memory_space<hbm>> -> memref<2048xf32, #tpu.memory_space<hbm>>
      tpu.enqueue_dma source(%arg8 : memref<2048xf32, #tpu.memory_space<vmem>>) target(%dma_start3A_104 : memref<2048xf32, #tpu.memory_space<hbm>>) target_semaphore(%arg12 : memref<!tpu.dma_semaphore, #tpu.memory_space<semaphore_mem>>)
      %dma_wait3A_105 = arith.constant 4096 : i32
      %dma_wait3A_106 = tpu.memref_slice %arg4[%add3A_9, %dma_wait3A_105] : memref<832x16384xf32, #tpu.memory_space<hbm>> -> memref<1x2048xf32, #tpu.memory_space<hbm>>
      %dma_wait3A_107 = tpu.memref_squeeze %dma_wait3A_106 : memref<1x2048xf32, #tpu.memory_space<hbm>> -> memref<2048xf32, #tpu.memory_space<hbm>>
      %dma_wait3A_108 = arith.constant 4096 : i32
      %dma_wait3A_109 = tpu.memref_slice %arg4[%add3A_9, %dma_wait3A_108] : memref<832x16384xf32, #tpu.memory_space<hbm>> -> memref<1x2048xf32, #tpu.memory_space<hbm>>
      %dma_wait3A_110 = tpu.memref_squeeze %dma_wait3A_109 : memref<1x2048xf32, #tpu.memory_space<hbm>> -> memref<2048xf32, #tpu.memory_space<hbm>>
      tpu.wait_dma2 semaphore(%arg11 : memref<!tpu.dma_semaphore, #tpu.memory_space<semaphore_mem>>) src(%arg7 : memref<2048xf32, #tpu.memory_space<vmem>>) dst(%dma_wait3A_110 : memref<2048xf32, #tpu.memory_space<hbm>>)
      %parallel_loop3A_111 = arith.constant 0 : i32
      %parallel_loop3A_112 = arith.constant 128 : i32
      %parallel_loop3A_113 = arith.constant 1 : i32
      scf.for %parallel_loop3A_177 = %parallel_loop3A_111 to %parallel_loop3A_112 step %parallel_loop3A_113  : i32 {
        %parallel_loop3A_178 = arith.constant 16 : i32
        %parallel_loop3A_179 = arith.muli %parallel_loop3A_177, %parallel_loop3A_178 : i32
        %parallel_loop3A_180 = arith.constant 8192 : i32
        %parallel_loop3A_181 = arith.addi %parallel_loop3A_180, %parallel_loop3A_179 : i32
        %parallel_loop3A_182 = arith.index_cast %parallel_loop3A_181 : i32 to index
        %parallel_loop3A_183 = tpu.vector_load %arg6[%parallel_loop3A_182] {strides = array<i32>} : memref<16384xi32, #tpu.memory_space<vmem>>, vector<16xi32>,
        %parallel_loop3A_184 = tpu.vector_load_idx %arg5[%parallel_loop3A_183] : memref<100000xf32, #tpu.memory_space<vmem>>[vector<16xi32>], vector<16xf32>,
        %parallel_loop3A_185 = arith.constant 16 : i32
        %parallel_loop3A_186 = arith.muli %parallel_loop3A_177, %parallel_loop3A_185 : i32
        %parallel_loop3A_187 = arith.index_cast %parallel_loop3A_186 : i32 to index
        %parallel_loop3A_188 = tpu.vector_load %arg7[%parallel_loop3A_187] {strides = array<i32>} : memref<2048xf32, #tpu.memory_space<vmem>>, vector<16xf32>,
        tpu.vector_store %arg7[%parallel_loop3A_187], %parallel_loop3A_184 {strides = array<i32>} : memref<2048xf32, #tpu.memory_space<vmem>>, vector<16xf32>,
      } {sc.loop_unroll_factor = 8 : i64, sc.parallel_access}
      %dma_start3A_114 = arith.constant 8192 : i32
      %dma_start3A_115 = tpu.memref_slice %arg4[%add3A_9, %dma_start3A_114] : memref<832x16384xf32, #tpu.memory_space<hbm>> -> memref<1x2048xf32, #tpu.memory_space<hbm>>
      %dma_start3A_116 = tpu.memref_squeeze %dma_start3A_115 : memref<1x2048xf32, #tpu.memory_space<hbm>> -> memref<2048xf32, #tpu.memory_space<hbm>>
      %dma_start3A_117 = arith.constant 8192 : i32
      %dma_start3A_118 = tpu.memref_slice %arg4[%add3A_9, %dma_start3A_117] : memref<832x16384xf32, #tpu.memory_space<hbm>> -> memref<1x2048xf32, #tpu.memory_space<hbm>>
      %dma_start3A_119 = tpu.memref_squeeze %dma_start3A_118 : memref<1x2048xf32, #tpu.memory_space<hbm>> -> memref<2048xf32, #tpu.memory_space<hbm>>
      tpu.enqueue_dma source(%arg7 : memref<2048xf32, #tpu.memory_space<vmem>>) target(%dma_start3A_119 : memref<2048xf32, #tpu.memory_space<hbm>>) target_semaphore(%arg11 : memref<!tpu.dma_semaphore, #tpu.memory_space<semaphore_mem>>)
      %dma_wait3A_120 = arith.constant 6144 : i32
      %dma_wait3A_121 = tpu.memref_slice %arg4[%add3A_9, %dma_wait3A_120] : memref<832x16384xf32, #tpu.memory_space<hbm>> -> memref<1x2048xf32, #tpu.memory_space<hbm>>
      %dma_wait3A_122 = tpu.memref_squeeze %dma_wait3A_121 : memref<1x2048xf32, #tpu.memory_space<hbm>> -> memref<2048xf32, #tpu.memory_space<hbm>>
      %dma_wait3A_123 = arith.constant 6144 : i32
      %dma_wait3A_124 = tpu.memref_slice %arg4[%add3A_9, %dma_wait3A_123] : memref<832x16384xf32, #tpu.memory_space<hbm>> -> memref<1x2048xf32, #tpu.memory_space<hbm>>
      %dma_wait3A_125 = tpu.memref_squeeze %dma_wait3A_124 : memref<1x2048xf32, #tpu.memory_space<hbm>> -> memref<2048xf32, #tpu.memory_space<hbm>>
      tpu.wait_dma2 semaphore(%arg12 : memref<!tpu.dma_semaphore, #tpu.memory_space<semaphore_mem>>) src(%arg8 : memref<2048xf32, #tpu.memory_space<vmem>>) dst(%dma_wait3A_125 : memref<2048xf32, #tpu.memory_space<hbm>>)
      %parallel_loop3A_126 = arith.constant 0 : i32
      %parallel_loop3A_127 = arith.constant 128 : i32
      %parallel_loop3A_128 = arith.constant 1 : i32
      scf.for %parallel_loop3A_177 = %parallel_loop3A_126 to %parallel_loop3A_127 step %parallel_loop3A_128  : i32 {
        %parallel_loop3A_178 = arith.constant 16 : i32
        %parallel_loop3A_179 = arith.muli %parallel_loop3A_177, %parallel_loop3A_178 : i32
        %parallel_loop3A_180 = arith.constant 10240 : i32
        %parallel_loop3A_181 = arith.addi %parallel_loop3A_180, %parallel_loop3A_179 : i32
        %parallel_loop3A_182 = arith.index_cast %parallel_loop3A_181 : i32 to index
        %parallel_loop3A_183 = tpu.vector_load %arg6[%parallel_loop3A_182] {strides = array<i32>} : memref<16384xi32, #tpu.memory_space<vmem>>, vector<16xi32>,
        %parallel_loop3A_184 = tpu.vector_load_idx %arg5[%parallel_loop3A_183] : memref<100000xf32, #tpu.memory_space<vmem>>[vector<16xi32>], vector<16xf32>,
        %parallel_loop3A_185 = arith.constant 16 : i32
        %parallel_loop3A_186 = arith.muli %parallel_loop3A_177, %parallel_loop3A_185 : i32
        %parallel_loop3A_187 = arith.index_cast %parallel_loop3A_186 : i32 to index
        %parallel_loop3A_188 = tpu.vector_load %arg8[%parallel_loop3A_187] {strides = array<i32>} : memref<2048xf32, #tpu.memory_space<vmem>>, vector<16xf32>,
        tpu.vector_store %arg8[%parallel_loop3A_187], %parallel_loop3A_184 {strides = array<i32>} : memref<2048xf32, #tpu.memory_space<vmem>>, vector<16xf32>,
      } {sc.loop_unroll_factor = 8 : i64, sc.parallel_access}
      %dma_start3A_129 = arith.constant 10240 : i32
      %dma_start3A_130 = tpu.memref_slice %arg4[%add3A_9, %dma_start3A_129] : memref<832x16384xf32, #tpu.memory_space<hbm>> -> memref<1x2048xf32, #tpu.memory_space<hbm>>
      %dma_start3A_131 = tpu.memref_squeeze %dma_start3A_130 : memref<1x2048xf32, #tpu.memory_space<hbm>> -> memref<2048xf32, #tpu.memory_space<hbm>>
      %dma_start3A_132 = arith.constant 10240 : i32
      %dma_start3A_133 = tpu.memref_slice %arg4[%add3A_9, %dma_start3A_132] : memref<832x16384xf32, #tpu.memory_space<hbm>> -> memref<1x2048xf32, #tpu.memory_space<hbm>>
      %dma_start3A_134 = tpu.memref_squeeze %dma_start3A_133 : memref<1x2048xf32, #tpu.memory_space<hbm>> -> memref<2048xf32, #tpu.memory_space<hbm>>
      tpu.enqueue_dma source(%arg8 : memref<2048xf32, #tpu.memory_space<vmem>>) target(%dma_start3A_134 : memref<2048xf32, #tpu.memory_space<hbm>>) target_semaphore(%arg12 : memref<!tpu.dma_semaphore, #tpu.memory_space<semaphore_mem>>)
      %dma_wait3A_135 = arith.constant 8192 : i32
      %dma_wait3A_136 = tpu.memref_slice %arg4[%add3A_9, %dma_wait3A_135] : memref<832x16384xf32, #tpu.memory_space<hbm>> -> memref<1x2048xf32, #tpu.memory_space<hbm>>
      %dma_wait3A_137 = tpu.memref_squeeze %dma_wait3A_136 : memref<1x2048xf32, #tpu.memory_space<hbm>> -> memref<2048xf32, #tpu.memory_space<hbm>>
      %dma_wait3A_138 = arith.constant 8192 : i32
      %dma_wait3A_139 = tpu.memref_slice %arg4[%add3A_9, %dma_wait3A_138] : memref<832x16384xf32, #tpu.memory_space<hbm>> -> memref<1x2048xf32, #tpu.memory_space<hbm>>
      %dma_wait3A_140 = tpu.memref_squeeze %dma_wait3A_139 : memref<1x2048xf32, #tpu.memory_space<hbm>> -> memref<2048xf32, #tpu.memory_space<hbm>>
      tpu.wait_dma2 semaphore(%arg11 : memref<!tpu.dma_semaphore, #tpu.memory_space<semaphore_mem>>) src(%arg7 : memref<2048xf32, #tpu.memory_space<vmem>>) dst(%dma_wait3A_140 : memref<2048xf32, #tpu.memory_space<hbm>>)
      %parallel_loop3A_141 = arith.constant 0 : i32
      %parallel_loop3A_142 = arith.constant 128 : i32
      %parallel_loop3A_143 = arith.constant 1 : i32
      scf.for %parallel_loop3A_177 = %parallel_loop3A_141 to %parallel_loop3A_142 step %parallel_loop3A_143  : i32 {
        %parallel_loop3A_178 = arith.constant 16 : i32
        %parallel_loop3A_179 = arith.muli %parallel_loop3A_177, %parallel_loop3A_178 : i32
        %parallel_loop3A_180 = arith.constant 12288 : i32
        %parallel_loop3A_181 = arith.addi %parallel_loop3A_180, %parallel_loop3A_179 : i32
        %parallel_loop3A_182 = arith.index_cast %parallel_loop3A_181 : i32 to index
        %parallel_loop3A_183 = tpu.vector_load %arg6[%parallel_loop3A_182] {strides = array<i32>} : memref<16384xi32, #tpu.memory_space<vmem>>, vector<16xi32>,
        %parallel_loop3A_184 = tpu.vector_load_idx %arg5[%parallel_loop3A_183] : memref<100000xf32, #tpu.memory_space<vmem>>[vector<16xi32>], vector<16xf32>,
        %parallel_loop3A_185 = arith.constant 16 : i32
        %parallel_loop3A_186 = arith.muli %parallel_loop3A_177, %parallel_loop3A_185 : i32
        %parallel_loop3A_187 = arith.index_cast %parallel_loop3A_186 : i32 to index
        %parallel_loop3A_188 = tpu.vector_load %arg7[%parallel_loop3A_187] {strides = array<i32>} : memref<2048xf32, #tpu.memory_space<vmem>>, vector<16xf32>,
        tpu.vector_store %arg7[%parallel_loop3A_187], %parallel_loop3A_184 {strides = array<i32>} : memref<2048xf32, #tpu.memory_space<vmem>>, vector<16xf32>,
      } {sc.loop_unroll_factor = 8 : i64, sc.parallel_access}
      %dma_start3A_144 = arith.constant 12288 : i32
      %dma_start3A_145 = tpu.memref_slice %arg4[%add3A_9, %dma_start3A_144] : memref<832x16384xf32, #tpu.memory_space<hbm>> -> memref<1x2048xf32, #tpu.memory_space<hbm>>
      %dma_start3A_146 = tpu.memref_squeeze %dma_start3A_145 : memref<1x2048xf32, #tpu.memory_space<hbm>> -> memref<2048xf32, #tpu.memory_space<hbm>>
      %dma_start3A_147 = arith.constant 12288 : i32
      %dma_start3A_148 = tpu.memref_slice %arg4[%add3A_9, %dma_start3A_147] : memref<832x16384xf32, #tpu.memory_space<hbm>> -> memref<1x2048xf32, #tpu.memory_space<hbm>>
      %dma_start3A_149 = tpu.memref_squeeze %dma_start3A_148 : memref<1x2048xf32, #tpu.memory_space<hbm>> -> memref<2048xf32, #tpu.memory_space<hbm>>
      tpu.enqueue_dma source(%arg7 : memref<2048xf32, #tpu.memory_space<vmem>>) target(%dma_start3A_149 : memref<2048xf32, #tpu.memory_space<hbm>>) target_semaphore(%arg11 : memref<!tpu.dma_semaphore, #tpu.memory_space<semaphore_mem>>)
      %dma_wait3A_150 = arith.constant 10240 : i32
      %dma_wait3A_151 = tpu.memref_slice %arg4[%add3A_9, %dma_wait3A_150] : memref<832x16384xf32, #tpu.memory_space<hbm>> -> memref<1x2048xf32, #tpu.memory_space<hbm>>
      %dma_wait3A_152 = tpu.memref_squeeze %dma_wait3A_151 : memref<1x2048xf32, #tpu.memory_space<hbm>> -> memref<2048xf32, #tpu.memory_space<hbm>>
      %dma_wait3A_153 = arith.constant 10240 : i32
      %dma_wait3A_154 = tpu.memref_slice %arg4[%add3A_9, %dma_wait3A_153] : memref<832x16384xf32, #tpu.memory_space<hbm>> -> memref<1x2048xf32, #tpu.memory_space<hbm>>
      %dma_wait3A_155 = tpu.memref_squeeze %dma_wait3A_154 : memref<1x2048xf32, #tpu.memory_space<hbm>> -> memref<2048xf32, #tpu.memory_space<hbm>>
      tpu.wait_dma2 semaphore(%arg12 : memref<!tpu.dma_semaphore, #tpu.memory_space<semaphore_mem>>) src(%arg8 : memref<2048xf32, #tpu.memory_space<vmem>>) dst(%dma_wait3A_155 : memref<2048xf32, #tpu.memory_space<hbm>>)
      %parallel_loop3A_156 = arith.constant 0 : i32
      %parallel_loop3A_157 = arith.constant 128 : i32
      %parallel_loop3A_158 = arith.constant 1 : i32
      scf.for %parallel_loop3A_177 = %parallel_loop3A_156 to %parallel_loop3A_157 step %parallel_loop3A_158  : i32 {
        %parallel_loop3A_178 = arith.constant 16 : i32
        %parallel_loop3A_179 = arith.muli %parallel_loop3A_177, %parallel_loop3A_178 : i32
        %parallel_loop3A_180 = arith.constant 14336 : i32
        %parallel_loop3A_181 = arith.addi %parallel_loop3A_180, %parallel_loop3A_179 : i32
        %parallel_loop3A_182 = arith.index_cast %parallel_loop3A_181 : i32 to index
        %parallel_loop3A_183 = tpu.vector_load %arg6[%parallel_loop3A_182] {strides = array<i32>} : memref<16384xi32, #tpu.memory_space<vmem>>, vector<16xi32>,
        %parallel_loop3A_184 = tpu.vector_load_idx %arg5[%parallel_loop3A_183] : memref<100000xf32, #tpu.memory_space<vmem>>[vector<16xi32>], vector<16xf32>,
        %parallel_loop3A_185 = arith.constant 16 : i32
        %parallel_loop3A_186 = arith.muli %parallel_loop3A_177, %parallel_loop3A_185 : i32
        %parallel_loop3A_187 = arith.index_cast %parallel_loop3A_186 : i32 to index
        %parallel_loop3A_188 = tpu.vector_load %arg8[%parallel_loop3A_187] {strides = array<i32>} : memref<2048xf32, #tpu.memory_space<vmem>>, vector<16xf32>,
        tpu.vector_store %arg8[%parallel_loop3A_187], %parallel_loop3A_184 {strides = array<i32>} : memref<2048xf32, #tpu.memory_space<vmem>>, vector<16xf32>,
      } {sc.loop_unroll_factor = 8 : i64, sc.parallel_access}
      %dma_start3A_159 = arith.constant 14336 : i32
      %dma_start3A_160 = tpu.memref_slice %arg4[%add3A_9, %dma_start3A_159] : memref<832x16384xf32, #tpu.memory_space<hbm>> -> memref<1x2048xf32, #tpu.memory_space<hbm>>
      %dma_start3A_161 = tpu.memref_squeeze %dma_start3A_160 : memref<1x2048xf32, #tpu.memory_space<hbm>> -> memref<2048xf32, #tpu.memory_space<hbm>>
      %dma_start3A_162 = arith.constant 14336 : i32
      %dma_start3A_163 = tpu.memref_slice %arg4[%add3A_9, %dma_start3A_162] : memref<832x16384xf32, #tpu.memory_space<hbm>> -> memref<1x2048xf32, #tpu.memory_space<hbm>>
      %dma_start3A_164 = tpu.memref_squeeze %dma_start3A_163 : memref<1x2048xf32, #tpu.memory_space<hbm>> -> memref<2048xf32, #tpu.memory_space<hbm>>
      tpu.enqueue_dma source(%arg8 : memref<2048xf32, #tpu.memory_space<vmem>>) target(%dma_start3A_164 : memref<2048xf32, #tpu.memory_space<hbm>>) target_semaphore(%arg12 : memref<!tpu.dma_semaphore, #tpu.memory_space<semaphore_mem>>)
      %dma_wait3A_165 = arith.constant 12288 : i32
      %dma_wait3A_166 = tpu.memref_slice %arg4[%add3A_9, %dma_wait3A_165] : memref<832x16384xf32, #tpu.memory_space<hbm>> -> memref<1x2048xf32, #tpu.memory_space<hbm>>
      %dma_wait3A_167 = tpu.memref_squeeze %dma_wait3A_166 : memref<1x2048xf32, #tpu.memory_space<hbm>> -> memref<2048xf32, #tpu.memory_space<hbm>>
      %dma_wait3A_168 = arith.constant 12288 : i32
      %dma_wait3A_169 = tpu.memref_slice %arg4[%add3A_9, %dma_wait3A_168] : memref<832x16384xf32, #tpu.memory_space<hbm>> -> memref<1x2048xf32, #tpu.memory_space<hbm>>
      %dma_wait3A_170 = tpu.memref_squeeze %dma_wait3A_169 : memref<1x2048xf32, #tpu.memory_space<hbm>> -> memref<2048xf32, #tpu.memory_space<hbm>>
      tpu.wait_dma2 semaphore(%arg11 : memref<!tpu.dma_semaphore, #tpu.memory_space<semaphore_mem>>) src(%arg7 : memref<2048xf32, #tpu.memory_space<vmem>>) dst(%dma_wait3A_170 : memref<2048xf32, #tpu.memory_space<hbm>>)
      %dma_wait3A_171 = arith.constant 14336 : i32
      %dma_wait3A_172 = tpu.memref_slice %arg4[%add3A_9, %dma_wait3A_171] : memref<832x16384xf32, #tpu.memory_space<hbm>> -> memref<1x2048xf32, #tpu.memory_space<hbm>>
      %dma_wait3A_173 = tpu.memref_squeeze %dma_wait3A_172 : memref<1x2048xf32, #tpu.memory_space<hbm>> -> memref<2048xf32, #tpu.memory_space<hbm>>
      %dma_wait3A_174 = arith.constant 14336 : i32
      %dma_wait3A_175 = tpu.memref_slice %arg4[%add3A_9, %dma_wait3A_174] : memref<832x16384xf32, #tpu.memory_space<hbm>> -> memref<1x2048xf32, #tpu.memory_space<hbm>>
      %dma_wait3A_176 = tpu.memref_squeeze %dma_wait3A_175 : memref<1x2048xf32, #tpu.memory_space<hbm>> -> memref<2048xf32, #tpu.memory_space<hbm>>
      tpu.wait_dma2 semaphore(%arg12 : memref<!tpu.dma_semaphore, #tpu.memory_space<semaphore_mem>>) src(%arg8 : memref<2048xf32, #tpu.memory_space<vmem>>) dst(%dma_wait3A_176 : memref<2048xf32, #tpu.memory_space<hbm>>)
    }
    %scan3A_5 = arith.constant 26 : i32
    return
  }
}

</mosaic_0001>

<sc_bundles>
// kernel: kernel.3.cloned.1.call-start
scs
__scs_entry_jumppad:
0x0: {  	(pc) =	sbr.rel $0x88, $3  }
0x1: {  	(tag) =	ssettag $0x0;
	lr =	simm.s32 $0x1  }
0x2: {  	[smem:$0x3F9F] =	sst lr;
	_ =	strace $0xD0000000  }
0x3: {  	_ = 	snop  }
0x4: {  	_ = 	snop  }
0x5: {  	_ = 	snop  }
0x6: {  	_ = 	snop  }
0x7: {  	_ = 	snop  }
__scs_overlays_trampoline_lowered:
0x8: {  	[smem:$0x3FAE] =	sst s0  }
0x9: {  	[smem:$0x3FAF] =	sst s1  }
0xa: {  	[smem:$0x3FB0] =	sst s2  }
0xb: {  	[smem:$0x3FB1] =	sst s3  }
0xc: {  	[smem:$0x3FB2] =	sst s4  }
0xd: {  	[smem:$0x3FB3] =	sst s5  }
0xe: {  	[smem:$0x3FB4] =	sst s6  }
0xf: {  	[smem:$0x3FB5] =	sst s7  }
0x10: {  	[smem:$0x3FB6] =	sst s8  }
0x11: {  	[smem:$0x3FB7] =	sst s9;
	s0 =	simm.s32 @!p0 $0x0  }
0x12: {  	s1 =	sld [smem:$0x3F9D];
	s0 =	simm.s32 @p0 $0x1  }
0x13: {  	[smem:$0x3FB8] =	sst s0;
	s0 =	simm.s32 @!p1 $0x0  }
0x14: {  	s2 =	sld [smem:$0x3F9C];
	s0 =	simm.s32 @p1 $0x1  }
0x15: {  	[smem:$0x3FB9] =	sst s0;
	s0 =	simm.s32 @!p2 $0x0  }
0x16: {  	s3 =	sld [smem:$0x3FDB];
	s0 =	simm.s32 @p2 $0x1  }
0x17: {  	s4 =	simm.s32 $0x1BF5;
	[smem:$0x3FBB] =	sst s0  }
0x18: {  	s0 =	sld [smem:$0x3F9E];
	_ =	swait.ge [sflag:s4], $0x0  }
0x19: {  	s7 =	sld [smem:$0x3F9F]  }
0x1a: {  	s8 =	sadd.s32 $0xFFFFE003, lr  }
0x1b: {  	s9 =	sadd.s32 $0xFFFFFEF7, lr;
	s5 =	simm.s32 $0xFFFFFFFF;
	p2 =	slt.u32 s8, $0xFFFFF086  }
0x1c: {  	p1 =	slt.u32 s9, $0xF7A;
	s5 =	simm.s32 @!p2 $0x0  }
0x1d: {  	s5 =	simm.s32 @p1 $0x1;
	p0 =	seq.s32 s7, s2  }
0x1e: {  	s7 =	smul.u32 @!p0 $0xF7A, s2;
	p2 =	seq.s32 @!p0 s5, $0x0  }
0x1f: {  	s9 =	smul.u32 $0xF7A, s1;
	s8 =	simm.s32 @!p0 $0x1BF5;
	p2 =	por !p2, p0  }
0x20: {  	[sflag:s8] =	ssyncset.s32 @!p0 $0xFFFFF086;
	s6 =	sadd.s32 @!p0 s3, s7;
	s7 =	simm.s32 @!p0 $0x108  }
0x21: {  	s3 =	sadd.s32 s3, s9;
	s6 =	sadd.s32 @!p0 $0x88, s6;
	s7 =	simm.s32 @p2 $0x1082  }
0x22: {  	[simem:s7], [sflag:s8] =	dma.local @!p0 [hbm:s6], $0xF7A  }
0x23: {  	s9 =	sor.u32 $0xD0000000, s2;
	s6 =	simm.s32 $0x108;
	_ =	swait.ge @!p0 [sflag:s8], $0x0  }
0x24: {  	s3 =	sadd.s32 $0x88, s3;
	s6 =	simm.s32 @!p1 $0x1082;
	[sflag:s4] =	ssyncset.s32 $0xFFFFF086  }
0x25: {  	[simem:s6], [sflag:s4] =	dma.local [hbm:s3], $0xF7A  }
0x26: {  	[smem:$0x3F9F] =	sst s1;
	(tag) =	ssettag s2;
	_ =	strace s9  }
0x27: {  	s1 =	sld [smem:$0x3FAF]  }
0x28: {  	s2 =	sld [smem:$0x3FB0]  }
0x29: {  	s4 =	sld [smem:$0x3FB2]  }
0x2a: {  	p0 =	seq.s32 s5, $0x0;
	s5 =	sld [smem:$0x3FB3]  }
0x2b: {  	s6 =	sld [smem:$0x3FB4]  }
0x2c: {  	s7 =	sld [smem:$0x3FB5]  }
0x2d: {  	s3 =	simm.s32 $0x108;
	s8 =	sld [smem:$0x3FB6]  }
0x2e: {  	s3 =	simm.s32 @!p0 $0x1082;
	s9 =	sld [smem:$0x3FB7]  }
0x2f: {  	lr =	sadd.s32 s0, s3;
	s0 =	sld [smem:$0x3FAE]  }
0x30: {  	s3 =	sld [smem:$0x3FB1]  }
0x31: {  	[smem:$0x3FBA] =	sst s10  }
0x32: {  	s10 =	sld [smem:$0x3FB8];
	_ =	sdelay $0x3  }
0x33: {  	p0 =	seq.s32 s10, $0x1;
	s10 =	sld [smem:$0x3FBA];
	_ =	sdelay $0x3  }
0x34: {  	[smem:$0x3FBA] =	sst s10  }
0x35: {  	s10 =	sld [smem:$0x3FB9];
	_ =	sdelay $0x3  }
0x36: {  	p1 =	seq.s32 s10, $0x1;
	s10 =	sld [smem:$0x3FBA];
	_ =	sdelay $0x3  }
0x37: {  	[smem:$0x3FBA] =	sst s10  }
0x38: {  	s10 =	sld [smem:$0x3FBB]  }
0x39: {  	_ = 	snop;
	(pc) =	sbr.ind lr, $3  }
0x3a: {  	_ = 	snop  }
0x3b: {  	_ = 	snop  }
0x3c: {  	p2 =	seq.s32 s10, $0x1;
	s10 =	sld [smem:$0x3FBA]  }
0x3d: {  	_ =	shalt  }
0x3e: {  	_ =	shalt  }
0x3f: {  	_ =	shalt  }
0x40: {  	_ =	shalt  }
0x41: {  	_ =	shalt  }
0x42: {  	_ =	shalt  }
0x43: {  	_ =	shalt  }
0x44: {  	_ =	shalt  }
0x45: {  	_ =	shalt  }
0x46: {  	_ =	shalt  }
0x47: {  	_ =	shalt  }
0x48: {  	_ =	shalt  }
0x49: {  	_ =	shalt  }
0x4a: {  	_ =	shalt  }
0x4b: {  	_ =	shalt  }
0x4c: {  	_ =	shalt  }
0x4d: {  	_ =	shalt  }
0x4e: {  	_ =	shalt  }
0x4f: {  	_ =	shalt  }
0x50: {  	_ =	shalt  }
0x51: {  	_ =	shalt  }
0x52: {  	_ =	shalt  }
0x53: {  	_ =	shalt  }
0x54: {  	_ =	shalt  }
0x55: {  	_ =	shalt  }
0x56: {  	_ =	shalt  }
0x57: {  	_ =	shalt  }
0x58: {  	_ =	shalt  }
0x59: {  	_ =	shalt  }
0x5a: {  	_ =	shalt  }
0x5b: {  	_ =	shalt  }
0x5c: {  	_ =	shalt  }
0x5d: {  	_ =	shalt  }
0x5e: {  	_ =	shalt  }
0x5f: {  	_ =	shalt  }
0x60: {  	_ =	shalt  }
0x61: {  	_ =	shalt  }
0x62: {  	_ =	shalt  }
0x63: {  	_ =	shalt  }
0x64: {  	_ =	shalt  }
0x65: {  	_ =	shalt  }
0x66: {  	_ =	shalt  }
0x67: {  	_ =	shalt  }
0x68: {  	_ =	shalt  }
0x69: {  	_ =	shalt  }
0x6a: {  	_ =	shalt  }
0x6b: {  	_ =	shalt  }
0x6c: {  	_ =	shalt  }
0x6d: {  	_ =	shalt  }
0x6e: {  	_ =	shalt  }
0x6f: {  	_ =	shalt  }
0x70: {  	_ =	shalt  }
0x71: {  	_ =	shalt  }
0x72: {  	_ =	shalt  }
0x73: {  	_ =	shalt  }
0x74: {  	_ =	shalt  }
0x75: {  	_ =	shalt  }
0x76: {  	_ =	shalt  }
0x77: {  	_ =	shalt  }
0x78: {  	_ =	shalt  }
0x79: {  	_ =	shalt  }
0x7a: {  	_ =	shalt  }
0x7b: {  	_ =	shalt  }
0x7c: {  	_ =	shalt  }
0x7d: {  	_ =	shalt  }
0x7e: {  	_ =	shalt  }
0x7f: {  	_ =	shalt  }
0x80: {  	_ =	shalt  }
0x81: {  	_ =	shalt  }
0x82: {  	_ =	shalt  }
0x83: {  	_ =	shalt  }
0x84: {  	_ =	shalt  }
0x85: {  	_ =	shalt  }
0x86: {  	_ =	shalt  }
0x87: {  	_ =	shalt  }
.Lfunc_end0:
.L_simem_size_0:
called_computation_lowered:
.L_overlay_start_0:
0x88: {  	s2 =	sld [smem:$0x3FD9]  }
0x89: {  	s3 =	sld [smem:$0x3FFE];
	_ =	sdelay $0x1  }
0x8a: {  	s1 =	srdreg.scid  }
0x8b: {  	s0 =	sand.u32 $0x1, s1  }
0x8c: {  	s18 =	sshll.u32 s0, $0xA;
	s2 =	sadd.s32 s3, s2  }
0x8d: {  	s2 =	sadd.s32 s2, s18  }
0x8e: {  	[smem:$0x3FC6] =	sst s2  }
0x8f: {  	_ = 	snop  }
0x90: {  	s2 =	sld [smem:$0x3FC9]  }
0x91: {  	s19 =	sld [smem:$0x3FC8]  }
0x92: {  	s4 =	sld [smem:$0x3FD0];
	(tm) =	ssettm $0x1  }
0x93: {  	s5 =	sld [smem:$0x3FFB];
	_ =	sdelay $0x3  }
0x94: {  	_ =	strace s5  }
0x95: {  	s5 =	sld [smem:$0x3FFC];
	_ =	sdelay $0x3  }
0x96: {  	_ =	strace s5  }
0x97: {  	s5 =	sld [smem:$0x3FFD];
	_ =	sdelay $0x3  }
0x98: {  	_ =	strace s5  }
0x99: {  	_ =	strace $0x8FFFFFFF  }
0x9a: {  	s20 =	sld [smem:$0x3FDB];
	_ =	sdelay $0x1  }
0x9b: {  	s6 =	simm.s32 $_scs_section_size  }
0x9c: {  	s7 =	simm.s32 $_size__tile_overlayer_lowered;
	s8 =	simm.s32 $_tile_overlayer_lowered  }
0x9d: {  	s23 =	simm.s32 $0x1BFF;
	s22 =	sshll.u32 s8, $0x1;
	s5 =	sadd.s32 s6, s20  }
0x9e: {  	s9 =	simm.s32 $0x0;
	s21 =	sshll.u32 s7, $0x1;
	s7 =	sadd.s32 s22, s5  }
0x9f: {  	[timem:s9], [sflag:s23] =	dma.local [hbm:s7], s21  }
0xa0: {  	_ =	swait.ge [sflag:s23], s21  }
0xa1: {  	s6 =	ssub.s32 $0x0, s21;
	[sflag:s23] =	ssyncset.done $0x0  }
0xa2: {  	[sflag:s23] =	ssyncadd.s32 s6;
	_ =	sdelay $0x1  }
0xa3: {  	s24 =	simm.s32 $0x1B8B  }
0xa4: {  	_ =	swait.ge [sflag:s24], $0x1  }
0xa5: {  	[sflag:s24] =	ssyncset.done $0x0  }
0xa6: {  	s25 =	simm.s32 $0x1B8E;
	[sflag:s24] =	ssyncadd.s32 $0xFFFFFFFF  }
0xa7: {  	s26 =	simm.s32 $execute0_lowered;
	[smem:$0x3FD2] =	sst s25  }
0xa8: {  	s6 =	sshll.u32 s26, $0x1;
	_ =	strace $0x80000046;
	[dreg:$0x1] =	wrdreg $0xFFFFFFFF  }
0xa9: {  	s28 =	simm.s32 $_size_execute0_lowered;
	s5 =	sadd.s32 s5, s6;
	[dreg:$0x0] =	wrdreg $0x0  }
0xaa: {  	s6 =	sshll.u32 s28, $0x1;
	[dreg:$0x2] =	wrdreg s5  }
0xab: {  	[dreg:$0x3] =	wrdreg s6  }
0xac: {  	[dreg:$0x4] =	wrdreg $0xC0  }
0xad: {  	_ =	task [dreg:s9], $0x5FFFF  }
0xae: {  	[dreg:$0x1] =	wrdreg $0xFFFFFFFF  }
0xaf: {  	[dreg:$0x0] =	wrdreg $0x60  }
0xb0: {  	[dreg:$0x2] =	wrdreg s2  }
0xb1: {  	[dreg:$0x3] =	wrdreg s19  }
0xb2: {  	[dreg:$0x4] =	wrdreg s4  }
0xb3: {  	[dreg:$0x5] =	wrdreg $0x9  }
0xb4: {  	_ =	task.clear_ibuf [dreg:s9], $0x6FFFF;
	_ =	strace $0x90000046  }
0xb5: {  	s29 =	simm.s32 $0x9;
	_ =	strace $0x80000048  }
0xb6: {  	_ =	swait.ge [sflag:s29], $0x1  }
0xb7: {  	[sflag:s29] =	ssyncadd.s32 $0xFFFFFFFF  }
0xb8: {  	_ =	strace $0x90000048  }
0xb9: {  	_ =	sfence  }
0xba: {  	s30 =	sld [smem:$0x0];
	_ =	sdelay $0x2  }
0xbb: {  	s31 =	sshll.u32 s1, $0xD;
	s1 =	sshrl.u32 s1, $0x2  }
0xbc: {  	s3 =	sand.u32 $0x4000, s31;
	s1 =	sadd.s32 s1, s30  }
0xbd: {  	s0 =	sor.u32 s3, s0;
	s1 =	sshll.u32 s1, $0x11  }
0xbe: {  	s0 =	sor.u32 s1, s0  }
0xbf: {  	s0 =	sadd.s32 $0x8F2B, s0  }
0xc0: {  	[sflag:s0] =	ssyncadd.remote.s32 $0x1  }
0xc1: {  	_ =	sfence.sel $0xFFFF  }
0xc2: {  	[dreg:$0x0] =	wrdreg $0xFFFFFFFF;
	(pc) =	sbr.abs _section_cstart, $3  }
0xc3: {  	[dreg:$0x1] =	wrdreg $0xFFFFFFFF  }
0xc4: {  	_ =	task.clear_ibuf [dreg:s9], $0x2FFFF;
	_ =	strace $0x9FFFFFFF  }
0xc5: {  	(tm) =	ssettm $0x7FFFFFFF  }
tec
execute0_lowered:
.L_overlay_start_1:
0x0: {  	(tag) =	ssettag $0x1  }
0x1: {  	s1 =	rddreg [dreg:$0x0]  }
0x2: {  	s2 =	rddreg [dreg:$0x1]  }
0x3: {  	s4 =	rddreg [dreg:$0x2]  }
0x4: {  	s0 =	rddreg [dreg:$0x3];
	s6 =	srdreg.scid  }
0x5: {  	s5 =	simm.s32 $0x0;
	s3 =	stileid.u32;
	s15 =	simm.s32 $0x80  }
0x6: {  	s16 =	simm.s32 $0x400;
	s17 =	simm.s32 $0x2;
	s18 =	simm.s32 $0x1C700  }
0x7: {  	s19 =	simm.s32 $0x1CF00;
	s20 =	simm.s32 $0x3;
	s21 =	simm.s32 $0x4  }
0x8: {  	s22 =	simm.s32 $0x0;
	s6 =	sand.u32 $0x1, s6;
	[smem:$0x7FF] =	sst s5  }
0x9: {  	s8 =	sshll.u32 s3, $0x1;
	s10 =	sadd.s32 $0x2000, s4;
	s11 =	sadd.s32 $0x2800, s4  }
0xa: {  	s12 =	sadd.s32 $0x3000, s4;
	s13 =	sadd.s32 $0x3800, s4;
	s7 =	ssub.s32 $0x2, s6  }
0xb: {  	_ =	strace $0x80000047;
	s6 =	sor.u32 s6, s8;
	s9 =	sshrl.u32 s7, $0x1  }
0xc: {  	s8 =	sadd.s32 $0x1000, s4;
	s6 =	smul.u32 $0x1A, s6;
	s14 =	ssub.s32 s7, s9  }
0xd: {  	s7 =	sadd.s32 $0x800, s4;
	s9 =	sadd.s32 $0x1800, s4;
	s14 =	smax.u32 s14, $0x1  }
.LBB2_1:
0xe: {  	s23 =	simm.s32 $0x0  }
.LBB2_2:
0xf: {  	s25 =	sadd.s32 s6, s23  }
0x10: {  	s24 =	sand.u32 $0x1F, s25  }
0x11: {  	p0 =	seq.s32 s23, $0x0;
	p1 =	seq.s32 s24, $0x0  }
0x12: {  	p0 =	por p0, p1  }
0x13: {  	s24 =	sshrl.u32 @p0 s25, $0x1  }
0x14: {  	s26 =	sshll.u32 @p0 s25, $0x6;
	s24 =	sand.u32 @p0 $0x70, s24  }
0x15: {  	s28 =	simm.s32 @p0 $0x400;
	s26 =	sand.u32 @p0 $0xFFFC000, s26;
	s24 =	sadd.s32 @p0 s1, s24  }
0x16: {  	s29 =	simm.s32 @p0 $0x18700;
	s24 =	sadd.s32 @p0 s26, s24;
	s26 =	simm.s32 @p0 $0x80  }
0x17: {  	[tilespmem:s29], [sflag:$0x1] =	stream.strided.gather @p0 [hbm4b:s24+s26], $0x4000, s28, s26, $0x38;
	[tilespmem:$0x1D700] =	vst v63  }
0x18: {  	s24 =	sshrl.u32 s25, $0x3  }
0x19: {  	s25 =	sshll.u32 s25, $0x7;
	s30 =	smul.u32 $0xC3800, s24  }
0x1a: {  	s25 =	sand.u32 $0x380, s25  }
0x1b: {  	s26 =	sor.u32 s25, s30  }
0x1c: {  	s26 =	sshrl.u32 s26, $0x3  }
0x1d: {  	s26 =	sadd.s32 s2, s26  }
0x1e: {  	[tilespmem:s5], [sflag:$0x2] =	stream.strided.gather [hbm4b:s26+s15], $0x18700, s16, s15, $0x38;
	[tilespmem:$0x1D700] =	vst v63  }
0x1f: {  	_ =	swait.ge [sflag:s17], $0x18700  }
0x20: {  	[sflag:s17] =	ssyncset.done $0x0  }
0x21: {  	s26 =	simm.s32 @p0 $0x1;
	[sflag:s17] =	ssyncadd.s32 $0xFFFE7900  }
0x22: {  	_ =	swait.ge @p0 [sflag:s26], $0x4000  }
0x23: {  	[sflag:s26] =	ssyncset.done @p0 $0x0  }
0x24: {  	s31 =	simm.s32 $0x18740;
	[sflag:s26] =	ssyncadd.s32 @p0 $0xFFFFC000  }
0x25: {  	v0 =	vld [tilespmem:s31+$0x30]  }
0x26: {  	v1 =	vld [tilespmem:s31+$0xFFFFFFD0]  }
0x27: {  	v2 =	vld [tilespmem:s31+$0xFFFFFFE0]  }
0x28: {  	v3 =	vld [tilespmem:s31+$0xFFFFFFF0]  }
0x29: {  	v6 =	vld [tilespmem:s31+$0x0]  }
0x2a: {  	v7 =	vld [tilespmem:s31+$0x10]  }
0x2b: {  	v8 =	vld [tilespmem:s31+$0x20]  }
0x2c: {  	v9 =	vld [tilespmem:s31+$0xFFFFFFC0]  }
0x2d: {  	v10 =	vld.idx.msk [tilespmem:v0+s5+$0x0], $0xffff  }
0x2e: {  	v11 =	vld.idx.msk [tilespmem:v1+s5+$0x0], $0xffff  }
0x2f: {  	v5 =	vld.idx.msk [tilespmem:v2+s5+$0x0], $0xffff  }
0x30: {  	v4 =	vld.idx.msk [tilespmem:v3+s5+$0x0], $0xffff  }
0x31: {  	v3 =	vld.idx.msk [tilespmem:v6+s5+$0x0], $0xffff  }
0x32: {  	s26 =	simm.s32 $0x1C740;
	v1 =	vld.idx.msk [tilespmem:v7+s5+$0x0], $0xffff  }
0x33: {  	v0 =	vld.idx.msk [tilespmem:v8+s5+$0x0], $0xffff;
	[tilespmem:s26+$0x30] =	vst v10  }
0x34: {  	s28 =	simm.s32 $0x0;
	s29 =	simm.s32 $0x187C0;
	v2 =	vld.idx.msk [tilespmem:v9+s5+$0x0], $0xffff;
	[tilespmem:s26+$0xFFFFFFD0] =	vst v11  }
.LBB2_3:
0x35: {  	v6 =	vld [tilespmem:s29+$0x30];
	s28 =	sadd.s32 $0x8, s28;
	[tilespmem:s26+$0xFFFFFFE0] =	vst v5  }
0x36: {  	v5 =	vld [tilespmem:s29+$0xFFFFFFD0];
	p0 =	slt.u32 s28, $0x78;
	[tilespmem:s26+$0xFFFFFFF0] =	vst v4  }
0x37: {  	v4 =	vld [tilespmem:s29+$0xFFFFFFE0];
	[tilespmem:s26+$0x0] =	vst v3  }
0x38: {  	v3 =	vld [tilespmem:s29+$0xFFFFFFF0];
	[tilespmem:s26+$0x10] =	vst v1  }
0x39: {  	v1 =	vld [tilespmem:s29+$0x0];
	[tilespmem:s26+$0x20] =	vst v0  }
0x3a: {  	v0 =	vld [tilespmem:s29+$0x10];
	[tilespmem:s26+$0xFFFFFFC0] =	vst v2  }
0x3b: {  	v2 =	vld [tilespmem:s29+$0x20]  }
0x3c: {  	v7 =	vld [tilespmem:s29+$0xFFFFFFC0]  }
0x3d: {  	v6 =	vld.idx.msk [tilespmem:v6+s5+$0x0], $0xffff  }
0x3e: {  	v8 =	vld.idx.msk [tilespmem:v5+s5+$0x0], $0xffff  }
0x3f: {  	v5 =	vld.idx.msk [tilespmem:v4+s5+$0x0], $0xffff  }
.Ltmp0:
0x40: {  	v4 =	vld.idx.msk [tilespmem:v3+s5+$0x0], $0xffff;
	(pc) =	sbr.rel @p0 .LBB2_3-.Ltmp0, $4  }
0x41: {  	v3 =	vld.idx.msk [tilespmem:v1+s5+$0x0], $0xffff  }
0x42: {  	s26 =	sadd.s32 $0x80, s26;
	v1 =	vld.idx.msk [tilespmem:v0+s5+$0x0], $0xffff  }
0x43: {  	v0 =	vld.idx.msk [tilespmem:v2+s5+$0x0], $0xffff;
	[tilespmem:s26+$0x30] =	vst v6  }
0x44: {  	s29 =	sadd.s32 $0x80, s29;
	v2 =	vld.idx.msk [tilespmem:v7+s5+$0x0], $0xffff;
	[tilespmem:s26+$0xFFFFFFD0] =	vst v8  }
0x45: {  	[tilespmem:s26+$0xFFFFFFE0] =	vst v5  }
0x46: {  	[tilespmem:s26+$0xFFFFFFF0] =	vst v4  }
0x47: {  	s24 =	sshll.u32 s24, $0x11;
	[tilespmem:s26+$0x0] =	vst v3  }
0x48: {  	s24 =	sor.u32 s25, s24;
	[tilespmem:s26+$0x10] =	vst v1  }
0x49: {  	s24 =	sshrl.u32 s24, $0x3;
	[tilespmem:s26+$0x20] =	vst v0  }
0x4a: {  	s31 =	simm.s32 $0x18F70;
	s30 =	sadd.s32 s4, s24;
	[tilespmem:s26+$0xFFFFFFC0] =	vst v2  }
0x4b: {  	[hbm4b:s30+s15] =	stream.strided.scatter [tilespmem:s18], [sflag:$0x3], $0x800, s16, s15, $0x38;
	[tilespmem:$0x1D700] =	vst v63  }
0x4c: {  	v0 =	vld [tilespmem:s31+$0x0]  }
0x4d: {  	v1 =	vld [tilespmem:s31+$0xFFFFFFA0]  }
0x4e: {  	v2 =	vld [tilespmem:s31+$0xFFFFFFB0]  }
0x4f: {  	v3 =	vld [tilespmem:s31+$0xFFFFFFC0]  }
0x50: {  	v4 =	vld [tilespmem:s31+$0xFFFFFFD0]  }
0x51: {  	v6 =	vld [tilespmem:s31+$0xFFFFFFE0]  }
0x52: {  	v7 =	vld [tilespmem:s31+$0xFFFFFFF0]  }
0x53: {  	v8 =	vld [tilespmem:s31+$0xFFFFFF90]  }
0x54: {  	v9 =	vld.idx.msk [tilespmem:v0+s5+$0x0], $0xffff  }
0x55: {  	v10 =	vld.idx.msk [tilespmem:v1+s5+$0x0], $0xffff  }
0x56: {  	v5 =	vld.idx.msk [tilespmem:v2+s5+$0x0], $0xffff  }
0x57: {  	v3 =	vld.idx.msk [tilespmem:v3+s5+$0x0], $0xffff  }
0x58: {  	v0 =	vld.idx.msk [tilespmem:v4+s5+$0x0], $0xffff  }
0x59: {  	s25 =	simm.s32 $0x1CF40;
	v1 =	vld.idx.msk [tilespmem:v6+s5+$0x0], $0xffff  }
0x5a: {  	v2 =	vld.idx.msk [tilespmem:v7+s5+$0x0], $0xffff;
	[tilespmem:s25+$0x30] =	vst v9  }
0x5b: {  	s28 =	simm.s32 $0x18FF0;
	s26 =	simm.s32 $0x0;
	v4 =	vld.idx.msk [tilespmem:v8+s5+$0x0], $0xffff;
	[tilespmem:s25+$0xFFFFFFD0] =	vst v10  }
.LBB2_5:
0x5c: {  	v6 =	vld [tilespmem:s28+$0x0];
	s26 =	sadd.s32 $0x8, s26;
	[tilespmem:s25+$0xFFFFFFE0] =	vst v5  }
0x5d: {  	v5 =	vld [tilespmem:s28+$0xFFFFFFA0];
	p0 =	slt.u32 s26, $0x78;
	[tilespmem:s25+$0xFFFFFFF0] =	vst v3  }
0x5e: {  	v3 =	vld [tilespmem:s28+$0xFFFFFFB0];
	[tilespmem:s25+$0x0] =	vst v0  }
0x5f: {  	v0 =	vld [tilespmem:s28+$0xFFFFFFC0];
	[tilespmem:s25+$0x10] =	vst v1  }
0x60: {  	v1 =	vld [tilespmem:s28+$0xFFFFFFD0];
	[tilespmem:s25+$0x20] =	vst v2  }
0x61: {  	v2 =	vld [tilespmem:s28+$0xFFFFFFE0];
	[tilespmem:s25+$0xFFFFFFC0] =	vst v4  }
0x62: {  	v4 =	vld [tilespmem:s28+$0xFFFFFFF0]  }
0x63: {  	v7 =	vld [tilespmem:s28+$0xFFFFFF90]  }
0x64: {  	v6 =	vld.idx.msk [tilespmem:v6+s5+$0x0], $0xffff  }
0x65: {  	v8 =	vld.idx.msk [tilespmem:v5+s5+$0x0], $0xffff  }
0x66: {  	v5 =	vld.idx.msk [tilespmem:v3+s5+$0x0], $0xffff  }
.Ltmp1:
0x67: {  	v3 =	vld.idx.msk [tilespmem:v0+s5+$0x0], $0xffff;
	(pc) =	sbr.rel @p0 .LBB2_5-.Ltmp1, $4  }
0x68: {  	v0 =	vld.idx.msk [tilespmem:v1+s5+$0x0], $0xffff  }
0x69: {  	s25 =	sadd.s32 $0x80, s25;
	v1 =	vld.idx.msk [tilespmem:v2+s5+$0x0], $0xffff  }
0x6a: {  	v2 =	vld.idx.msk [tilespmem:v4+s5+$0x0], $0xffff;
	[tilespmem:s25+$0x30] =	vst v6  }
0x6b: {  	s28 =	sadd.s32 $0x80, s28;
	v4 =	vld.idx.msk [tilespmem:v7+s5+$0x0], $0xffff;
	[tilespmem:s25+$0xFFFFFFD0] =	vst v8  }
0x6c: {  	[tilespmem:s25+$0xFFFFFFE0] =	vst v5  }
0x6d: {  	[tilespmem:s25+$0xFFFFFFF0] =	vst v3  }
0x6e: {  	[tilespmem:s25+$0x0] =	vst v0  }
0x6f: {  	[tilespmem:s25+$0x10] =	vst v1  }
0x70: {  	[tilespmem:s25+$0x20] =	vst v2  }
0x71: {  	s30 =	sadd.s32 s24, s7;
	[tilespmem:s25+$0xFFFFFFC0] =	vst v4  }
0x72: {  	[hbm4b:s30+s15] =	stream.strided.scatter [tilespmem:s19], [sflag:$0x4], $0x800, s16, s15, $0x38;
	[tilespmem:$0x1D700] =	vst v63  }
0x73: {  	_ =	swait.ge [sflag:s20], $0x800  }
0x74: {  	[sflag:s20] =	ssyncset.done $0x0  }
0x75: {  	s31 =	simm.s32 $0x19770;
	[sflag:s20] =	ssyncadd.s32 $0xFFFFF800  }
0x76: {  	v0 =	vld [tilespmem:s31+$0x0]  }
0x77: {  	v1 =	vld [tilespmem:s31+$0xFFFFFFA0]  }
0x78: {  	v2 =	vld [tilespmem:s31+$0xFFFFFFB0]  }
0x79: {  	v3 =	vld [tilespmem:s31+$0xFFFFFFC0]  }
0x7a: {  	v4 =	vld [tilespmem:s31+$0xFFFFFFD0]  }
0x7b: {  	v6 =	vld [tilespmem:s31+$0xFFFFFFE0]  }
0x7c: {  	v7 =	vld [tilespmem:s31+$0xFFFFFFF0]  }
0x7d: {  	v8 =	vld [tilespmem:s31+$0xFFFFFF90]  }
0x7e: {  	v9 =	vld.idx.msk [tilespmem:v0+s5+$0x0], $0xffff  }
0x7f: {  	v10 =	vld.idx.msk [tilespmem:v1+s5+$0x0], $0xffff  }
0x80: {  	v5 =	vld.idx.msk [tilespmem:v2+s5+$0x0], $0xffff  }
0x81: {  	v3 =	vld.idx.msk [tilespmem:v3+s5+$0x0], $0xffff  }
0x82: {  	v0 =	vld.idx.msk [tilespmem:v4+s5+$0x0], $0xffff  }
0x83: {  	s25 =	simm.s32 $0x1C740;
	v1 =	vld.idx.msk [tilespmem:v6+s5+$0x0], $0xffff  }
0x84: {  	v2 =	vld.idx.msk [tilespmem:v7+s5+$0x0], $0xffff;
	[tilespmem:s25+$0x30] =	vst v9  }
0x85: {  	s26 =	simm.s32 $0x0;
	s28 =	simm.s32 $0x197F0;
	v4 =	vld.idx.msk [tilespmem:v8+s5+$0x0], $0xffff;
	[tilespmem:s25+$0xFFFFFFD0] =	vst v10  }
.LBB2_7:
0x86: {  	v6 =	vld [tilespmem:s28+$0x0];
	s26 =	sadd.s32 $0x8, s26;
	[tilespmem:s25+$0xFFFFFFE0] =	vst v5  }
0x87: {  	v5 =	vld [tilespmem:s28+$0xFFFFFFA0];
	p0 =	slt.u32 s26, $0x78;
	[tilespmem:s25+$0xFFFFFFF0] =	vst v3  }
0x88: {  	v3 =	vld [tilespmem:s28+$0xFFFFFFB0];
	[tilespmem:s25+$0x0] =	vst v0  }
0x89: {  	v0 =	vld [tilespmem:s28+$0xFFFFFFC0];
	[tilespmem:s25+$0x10] =	vst v1  }
0x8a: {  	v1 =	vld [tilespmem:s28+$0xFFFFFFD0];
	[tilespmem:s25+$0x20] =	vst v2  }
0x8b: {  	v2 =	vld [tilespmem:s28+$0xFFFFFFE0];
	[tilespmem:s25+$0xFFFFFFC0] =	vst v4  }
0x8c: {  	v4 =	vld [tilespmem:s28+$0xFFFFFFF0]  }
0x8d: {  	v7 =	vld [tilespmem:s28+$0xFFFFFF90]  }
0x8e: {  	v6 =	vld.idx.msk [tilespmem:v6+s5+$0x0], $0xffff  }
0x8f: {  	v8 =	vld.idx.msk [tilespmem:v5+s5+$0x0], $0xffff  }
0x90: {  	v5 =	vld.idx.msk [tilespmem:v3+s5+$0x0], $0xffff  }
.Ltmp2:
0x91: {  	v3 =	vld.idx.msk [tilespmem:v0+s5+$0x0], $0xffff;
	(pc) =	sbr.rel @p0 .LBB2_7-.Ltmp2, $4  }
0x92: {  	v0 =	vld.idx.msk [tilespmem:v1+s5+$0x0], $0xffff  }
0x93: {  	s25 =	sadd.s32 $0x80, s25;
	v1 =	vld.idx.msk [tilespmem:v2+s5+$0x0], $0xffff  }
0x94: {  	v2 =	vld.idx.msk [tilespmem:v4+s5+$0x0], $0xffff;
	[tilespmem:s25+$0x30] =	vst v6  }
0x95: {  	s28 =	sadd.s32 $0x80, s28;
	v4 =	vld.idx.msk [tilespmem:v7+s5+$0x0], $0xffff;
	[tilespmem:s25+$0xFFFFFFD0] =	vst v8  }
0x96: {  	[tilespmem:s25+$0xFFFFFFE0] =	vst v5  }
0x97: {  	[tilespmem:s25+$0xFFFFFFF0] =	vst v3  }
0x98: {  	[tilespmem:s25+$0x0] =	vst v0  }
0x99: {  	[tilespmem:s25+$0x10] =	vst v1  }
0x9a: {  	[tilespmem:s25+$0x20] =	vst v2  }
0x9b: {  	s30 =	sadd.s32 s24, s8;
	[tilespmem:s25+$0xFFFFFFC0] =	vst v4  }
0x9c: {  	[hbm4b:s30+s15] =	stream.strided.scatter [tilespmem:s18], [sflag:$0x3], $0x800, s16, s15, $0x38;
	[tilespmem:$0x1D700] =	vst v63  }
0x9d: {  	_ =	swait.ge [sflag:s21], $0x800  }
0x9e: {  	[sflag:s21] =	ssyncset.done $0x0  }
0x9f: {  	s31 =	simm.s32 $0x19F70;
	[sflag:s21] =	ssyncadd.s32 $0xFFFFF800  }
0xa0: {  	v0 =	vld [tilespmem:s31+$0x0]  }
0xa1: {  	v1 =	vld [tilespmem:s31+$0xFFFFFFA0]  }
0xa2: {  	v2 =	vld [tilespmem:s31+$0xFFFFFFB0]  }
0xa3: {  	v3 =	vld [tilespmem:s31+$0xFFFFFFC0]  }
0xa4: {  	v4 =	vld [tilespmem:s31+$0xFFFFFFD0]  }
0xa5: {  	v6 =	vld [tilespmem:s31+$0xFFFFFFE0]  }
0xa6: {  	v7 =	vld [tilespmem:s31+$0xFFFFFFF0]  }
0xa7: {  	v8 =	vld [tilespmem:s31+$0xFFFFFF90]  }
0xa8: {  	v9 =	vld.idx.msk [tilespmem:v0+s5+$0x0], $0xffff  }
0xa9: {  	v10 =	vld.idx.msk [tilespmem:v1+s5+$0x0], $0xffff  }
0xaa: {  	v5 =	vld.idx.msk [tilespmem:v2+s5+$0x0], $0xffff  }
0xab: {  	v3 =	vld.idx.msk [tilespmem:v3+s5+$0x0], $0xffff  }
0xac: {  	v0 =	vld.idx.msk [tilespmem:v4+s5+$0x0], $0xffff  }
0xad: {  	s25 =	simm.s32 $0x1CF40;
	v1 =	vld.idx.msk [tilespmem:v6+s5+$0x0], $0xffff  }
0xae: {  	v2 =	vld.idx.msk [tilespmem:v7+s5+$0x0], $0xffff;
	[tilespmem:s25+$0x30] =	vst v9  }
0xaf: {  	s26 =	simm.s32 $0x0;
	s28 =	simm.s32 $0x19FF0;
	v4 =	vld.idx.msk [tilespmem:v8+s5+$0x0], $0xffff;
	[tilespmem:s25+$0xFFFFFFD0] =	vst v10  }
.LBB2_9:
0xb0: {  	v6 =	vld [tilespmem:s28+$0x0];
	s26 =	sadd.s32 $0x8, s26;
	[tilespmem:s25+$0xFFFFFFE0] =	vst v5  }
0xb1: {  	v5 =	vld [tilespmem:s28+$0xFFFFFFA0];
	p0 =	slt.u32 s26, $0x78;
	[tilespmem:s25+$0xFFFFFFF0] =	vst v3  }
0xb2: {  	v3 =	vld [tilespmem:s28+$0xFFFFFFB0];
	[tilespmem:s25+$0x0] =	vst v0  }
0xb3: {  	v0 =	vld [tilespmem:s28+$0xFFFFFFC0];
	[tilespmem:s25+$0x10] =	vst v1  }
0xb4: {  	v1 =	vld [tilespmem:s28+$0xFFFFFFD0];
	[tilespmem:s25+$0x20] =	vst v2  }
0xb5: {  	v2 =	vld [tilespmem:s28+$0xFFFFFFE0];
	[tilespmem:s25+$0xFFFFFFC0] =	vst v4  }
0xb6: {  	v4 =	vld [tilespmem:s28+$0xFFFFFFF0]  }
0xb7: {  	v7 =	vld [tilespmem:s28+$0xFFFFFF90]  }
0xb8: {  	v6 =	vld.idx.msk [tilespmem:v6+s5+$0x0], $0xffff  }
0xb9: {  	v8 =	vld.idx.msk [tilespmem:v5+s5+$0x0], $0xffff  }
0xba: {  	v5 =	vld.idx.msk [tilespmem:v3+s5+$0x0], $0xffff  }
.Ltmp3:
0xbb: {  	v3 =	vld.idx.msk [tilespmem:v0+s5+$0x0], $0xffff;
	(pc) =	sbr.rel @p0 .LBB2_9-.Ltmp3, $4  }
0xbc: {  	v0 =	vld.idx.msk [tilespmem:v1+s5+$0x0], $0xffff  }
0xbd: {  	s25 =	sadd.s32 $0x80, s25;
	v1 =	vld.idx.msk [tilespmem:v2+s5+$0x0], $0xffff  }
0xbe: {  	v2 =	vld.idx.msk [tilespmem:v4+s5+$0x0], $0xffff;
	[tilespmem:s25+$0x30] =	vst v6  }
0xbf: {  	s28 =	sadd.s32 $0x80, s28;
	v4 =	vld.idx.msk [tilespmem:v7+s5+$0x0], $0xffff;
	[tilespmem:s25+$0xFFFFFFD0] =	vst v8  }
0xc0: {  	[tilespmem:s25+$0xFFFFFFE0] =	vst v5  }
0xc1: {  	[tilespmem:s25+$0xFFFFFFF0] =	vst v3  }
0xc2: {  	[tilespmem:s25+$0x0] =	vst v0  }
0xc3: {  	[tilespmem:s25+$0x10] =	vst v1  }
0xc4: {  	[tilespmem:s25+$0x20] =	vst v2  }
0xc5: {  	s30 =	sadd.s32 s24, s9;
	[tilespmem:s25+$0xFFFFFFC0] =	vst v4  }
0xc6: {  	[hbm4b:s30+s15] =	stream.strided.scatter [tilespmem:s19], [sflag:$0x4], $0x800, s16, s15, $0x38;
	[tilespmem:$0x1D700] =	vst v63  }
0xc7: {  	_ =	swait.ge [sflag:s20], $0x800  }
0xc8: {  	[sflag:s20] =	ssyncset.done $0x0  }
0xc9: {  	s31 =	simm.s32 $0x1A770;
	[sflag:s20] =	ssyncadd.s32 $0xFFFFF800  }
0xca: {  	v0 =	vld [tilespmem:s31+$0x0]  }
0xcb: {  	v1 =	vld [tilespmem:s31+$0xFFFFFFA0]  }
0xcc: {  	v2 =	vld [tilespmem:s31+$0xFFFFFFB0]  }
0xcd: {  	v3 =	vld [tilespmem:s31+$0xFFFFFFC0]  }
0xce: {  	v4 =	vld [tilespmem:s31+$0xFFFFFFD0]  }
0xcf: {  	v6 =	vld [tilespmem:s31+$0xFFFFFFE0]  }
0xd0: {  	v7 =	vld [tilespmem:s31+$0xFFFFFFF0]  }
0xd1: {  	v8 =	vld [tilespmem:s31+$0xFFFFFF90]  }
0xd2: {  	v9 =	vld.idx.msk [tilespmem:v0+s5+$0x0], $0xffff  }
0xd3: {  	v10 =	vld.idx.msk [tilespmem:v1+s5+$0x0], $0xffff  }
0xd4: {  	v5 =	vld.idx.msk [tilespmem:v2+s5+$0x0], $0xffff  }
0xd5: {  	v3 =	vld.idx.msk [tilespmem:v3+s5+$0x0], $0xffff  }
0xd6: {  	v0 =	vld.idx.msk [tilespmem:v4+s5+$0x0], $0xffff  }
0xd7: {  	s25 =	simm.s32 $0x1C740;
	v1 =	vld.idx.msk [tilespmem:v6+s5+$0x0], $0xffff  }
0xd8: {  	v2 =	vld.idx.msk [tilespmem:v7+s5+$0x0], $0xffff;
	[tilespmem:s25+$0x30] =	vst v9  }
0xd9: {  	s26 =	simm.s32 $0x0;
	s28 =	simm.s32 $0x1A7F0;
	v4 =	vld.idx.msk [tilespmem:v8+s5+$0x0], $0xffff;
	[tilespmem:s25+$0xFFFFFFD0] =	vst v10  }
.LBB2_11:
0xda: {  	v6 =	vld [tilespmem:s28+$0x0];
	s26 =	sadd.s32 $0x8, s26;
	[tilespmem:s25+$0xFFFFFFE0] =	vst v5  }
0xdb: {  	v5 =	vld [tilespmem:s28+$0xFFFFFFA0];
	p0 =	slt.u32 s26, $0x78;
	[tilespmem:s25+$0xFFFFFFF0] =	vst v3  }
0xdc: {  	v3 =	vld [tilespmem:s28+$0xFFFFFFB0];
	[tilespmem:s25+$0x0] =	vst v0  }
0xdd: {  	v0 =	vld [tilespmem:s28+$0xFFFFFFC0];
	[tilespmem:s25+$0x10] =	vst v1  }
0xde: {  	v1 =	vld [tilespmem:s28+$0xFFFFFFD0];
	[tilespmem:s25+$0x20] =	vst v2  }
0xdf: {  	v2 =	vld [tilespmem:s28+$0xFFFFFFE0];
	[tilespmem:s25+$0xFFFFFFC0] =	vst v4  }
0xe0: {  	v4 =	vld [tilespmem:s28+$0xFFFFFFF0]  }
0xe1: {  	v7 =	vld [tilespmem:s28+$0xFFFFFF90]  }
0xe2: {  	v6 =	vld.idx.msk [tilespmem:v6+s5+$0x0], $0xffff  }
0xe3: {  	v8 =	vld.idx.msk [tilespmem:v5+s5+$0x0], $0xffff  }
0xe4: {  	v5 =	vld.idx.msk [tilespmem:v3+s5+$0x0], $0xffff  }
.Ltmp4:
0xe5: {  	v3 =	vld.idx.msk [tilespmem:v0+s5+$0x0], $0xffff;
	(pc) =	sbr.rel @p0 .LBB2_11-.Ltmp4, $4  }
0xe6: {  	v0 =	vld.idx.msk [tilespmem:v1+s5+$0x0], $0xffff  }
0xe7: {  	s25 =	sadd.s32 $0x80, s25;
	v1 =	vld.idx.msk [tilespmem:v2+s5+$0x0], $0xffff  }
0xe8: {  	v2 =	vld.idx.msk [tilespmem:v4+s5+$0x0], $0xffff;
	[tilespmem:s25+$0x30] =	vst v6  }
0xe9: {  	s28 =	sadd.s32 $0x80, s28;
	v4 =	vld.idx.msk [tilespmem:v7+s5+$0x0], $0xffff;
	[tilespmem:s25+$0xFFFFFFD0] =	vst v8  }
0xea: {  	[tilespmem:s25+$0xFFFFFFE0] =	vst v5  }
0xeb: {  	[tilespmem:s25+$0xFFFFFFF0] =	vst v3  }
0xec: {  	[tilespmem:s25+$0x0] =	vst v0  }
0xed: {  	[tilespmem:s25+$0x10] =	vst v1  }
0xee: {  	[tilespmem:s25+$0x20] =	vst v2  }
0xef: {  	s30 =	sadd.s32 s24, s10;
	[tilespmem:s25+$0xFFFFFFC0] =	vst v4  }
0xf0: {  	[hbm4b:s30+s15] =	stream.strided.scatter [tilespmem:s18], [sflag:$0x3], $0x800, s16, s15, $0x38;
	[tilespmem:$0x1D700] =	vst v63  }
0xf1: {  	_ =	swait.ge [sflag:s21], $0x800  }
0xf2: {  	[sflag:s21] =	ssyncset.done $0x0  }
0xf3: {  	s31 =	simm.s32 $0x1AF70;
	[sflag:s21] =	ssyncadd.s32 $0xFFFFF800  }
0xf4: {  	v0 =	vld [tilespmem:s31+$0x0]  }
0xf5: {  	v1 =	vld [tilespmem:s31+$0xFFFFFFA0]  }
0xf6: {  	v2 =	vld [tilespmem:s31+$0xFFFFFFB0]  }
0xf7: {  	v3 =	vld [tilespmem:s31+$0xFFFFFFC0]  }
0xf8: {  	v4 =	vld [tilespmem:s31+$0xFFFFFFD0]  }
0xf9: {  	v6 =	vld [tilespmem:s31+$0xFFFFFFE0]  }
0xfa: {  	v7 =	vld [tilespmem:s31+$0xFFFFFFF0]  }
0xfb: {  	v8 =	vld [tilespmem:s31+$0xFFFFFF90]  }
0xfc: {  	v9 =	vld.idx.msk [tilespmem:v0+s5+$0x0], $0xffff  }
0xfd: {  	v10 =	vld.idx.msk [tilespmem:v1+s5+$0x0], $0xffff  }
0xfe: {  	v5 =	vld.idx.msk [tilespmem:v2+s5+$0x0], $0xffff  }
0xff: {  	v3 =	vld.idx.msk [tilespmem:v3+s5+$0x0], $0xffff  }
0x100: {  	v0 =	vld.idx.msk [tilespmem:v4+s5+$0x0], $0xffff  }
0x101: {  	s25 =	simm.s32 $0x1CF40;
	v1 =	vld.idx.msk [tilespmem:v6+s5+$0x0], $0xffff  }
0x102: {  	v2 =	vld.idx.msk [tilespmem:v7+s5+$0x0], $0xffff;
	[tilespmem:s25+$0x30] =	vst v9  }
0x103: {  	s26 =	simm.s32 $0x0;
	s28 =	simm.s32 $0x1AFF0;
	v4 =	vld.idx.msk [tilespmem:v8+s5+$0x0], $0xffff;
	[tilespmem:s25+$0xFFFFFFD0] =	vst v10  }
.LBB2_13:
0x104: {  	v6 =	vld [tilespmem:s28+$0x0];
	s26 =	sadd.s32 $0x8, s26;
	[tilespmem:s25+$0xFFFFFFE0] =	vst v5  }
0x105: {  	v5 =	vld [tilespmem:s28+$0xFFFFFFA0];
	p0 =	slt.u32 s26, $0x78;
	[tilespmem:s25+$0xFFFFFFF0] =	vst v3  }
0x106: {  	v3 =	vld [tilespmem:s28+$0xFFFFFFB0];
	[tilespmem:s25+$0x0] =	vst v0  }
0x107: {  	v0 =	vld [tilespmem:s28+$0xFFFFFFC0];
	[tilespmem:s25+$0x10] =	vst v1  }
0x108: {  	v1 =	vld [tilespmem:s28+$0xFFFFFFD0];
	[tilespmem:s25+$0x20] =	vst v2  }
0x109: {  	v2 =	vld [tilespmem:s28+$0xFFFFFFE0];
	[tilespmem:s25+$0xFFFFFFC0] =	vst v4  }
0x10a: {  	v4 =	vld [tilespmem:s28+$0xFFFFFFF0]  }
0x10b: {  	v7 =	vld [tilespmem:s28+$0xFFFFFF90]  }
0x10c: {  	v6 =	vld.idx.msk [tilespmem:v6+s5+$0x0], $0xffff  }
0x10d: {  	v8 =	vld.idx.msk [tilespmem:v5+s5+$0x0], $0xffff  }
0x10e: {  	v5 =	vld.idx.msk [tilespmem:v3+s5+$0x0], $0xffff  }
.Ltmp5:
0x10f: {  	v3 =	vld.idx.msk [tilespmem:v0+s5+$0x0], $0xffff;
	(pc) =	sbr.rel @p0 .LBB2_13-.Ltmp5, $4  }
0x110: {  	v0 =	vld.idx.msk [tilespmem:v1+s5+$0x0], $0xffff  }
0x111: {  	s25 =	sadd.s32 $0x80, s25;
	v1 =	vld.idx.msk [tilespmem:v2+s5+$0x0], $0xffff  }
0x112: {  	v2 =	vld.idx.msk [tilespmem:v4+s5+$0x0], $0xffff;
	[tilespmem:s25+$0x30] =	vst v6  }
0x113: {  	s28 =	sadd.s32 $0x80, s28;
	v4 =	vld.idx.msk [tilespmem:v7+s5+$0x0], $0xffff;
	[tilespmem:s25+$0xFFFFFFD0] =	vst v8  }
0x114: {  	[tilespmem:s25+$0xFFFFFFE0] =	vst v5  }
0x115: {  	[tilespmem:s25+$0xFFFFFFF0] =	vst v3  }
0x116: {  	[tilespmem:s25+$0x0] =	vst v0  }
0x117: {  	[tilespmem:s25+$0x10] =	vst v1  }
0x118: {  	[tilespmem:s25+$0x20] =	vst v2  }
0x119: {  	s30 =	sadd.s32 s24, s11;
	[tilespmem:s25+$0xFFFFFFC0] =	vst v4  }
0x11a: {  	[hbm4b:s30+s15] =	stream.strided.scatter [tilespmem:s19], [sflag:$0x4], $0x800, s16, s15, $0x38;
	[tilespmem:$0x1D700] =	vst v63  }
0x11b: {  	_ =	swait.ge [sflag:s20], $0x800  }
0x11c: {  	[sflag:s20] =	ssyncset.done $0x0  }
0x11d: {  	s31 =	simm.s32 $0x1B770;
	[sflag:s20] =	ssyncadd.s32 $0xFFFFF800  }
0x11e: {  	v0 =	vld [tilespmem:s31+$0x0]  }
0x11f: {  	v1 =	vld [tilespmem:s31+$0xFFFFFFA0]  }
0x120: {  	v2 =	vld [tilespmem:s31+$0xFFFFFFB0]  }
0x121: {  	v3 =	vld [tilespmem:s31+$0xFFFFFFC0]  }
0x122: {  	v4 =	vld [tilespmem:s31+$0xFFFFFFD0]  }
0x123: {  	v6 =	vld [tilespmem:s31+$0xFFFFFFE0]  }
0x124: {  	v7 =	vld [tilespmem:s31+$0xFFFFFFF0]  }
0x125: {  	v8 =	vld [tilespmem:s31+$0xFFFFFF90]  }
0x126: {  	v9 =	vld.idx.msk [tilespmem:v0+s5+$0x0], $0xffff  }
0x127: {  	v10 =	vld.idx.msk [tilespmem:v1+s5+$0x0], $0xffff  }
0x128: {  	v5 =	vld.idx.msk [tilespmem:v2+s5+$0x0], $0xffff  }
0x129: {  	v3 =	vld.idx.msk [tilespmem:v3+s5+$0x0], $0xffff  }
0x12a: {  	v0 =	vld.idx.msk [tilespmem:v4+s5+$0x0], $0xffff  }
0x12b: {  	s25 =	simm.s32 $0x1C740;
	v1 =	vld.idx.msk [tilespmem:v6+s5+$0x0], $0xffff  }
0x12c: {  	v2 =	vld.idx.msk [tilespmem:v7+s5+$0x0], $0xffff;
	[tilespmem:s25+$0x30] =	vst v9  }
0x12d: {  	s26 =	simm.s32 $0x0;
	s28 =	simm.s32 $0x1B7F0;
	v4 =	vld.idx.msk [tilespmem:v8+s5+$0x0], $0xffff;
	[tilespmem:s25+$0xFFFFFFD0] =	vst v10  }
.LBB2_15:
0x12e: {  	v6 =	vld [tilespmem:s28+$0x0];
	s26 =	sadd.s32 $0x8, s26;
	[tilespmem:s25+$0xFFFFFFE0] =	vst v5  }
0x12f: {  	v5 =	vld [tilespmem:s28+$0xFFFFFFA0];
	p0 =	slt.u32 s26, $0x78;
	[tilespmem:s25+$0xFFFFFFF0] =	vst v3  }
0x130: {  	v3 =	vld [tilespmem:s28+$0xFFFFFFB0];
	[tilespmem:s25+$0x0] =	vst v0  }
0x131: {  	v0 =	vld [tilespmem:s28+$0xFFFFFFC0];
	[tilespmem:s25+$0x10] =	vst v1  }
0x132: {  	v1 =	vld [tilespmem:s28+$0xFFFFFFD0];
	[tilespmem:s25+$0x20] =	vst v2  }
0x133: {  	v2 =	vld [tilespmem:s28+$0xFFFFFFE0];
	[tilespmem:s25+$0xFFFFFFC0] =	vst v4  }
0x134: {  	v4 =	vld [tilespmem:s28+$0xFFFFFFF0]  }
0x135: {  	v7 =	vld [tilespmem:s28+$0xFFFFFF90]  }
0x136: {  	v6 =	vld.idx.msk [tilespmem:v6+s5+$0x0], $0xffff  }
0x137: {  	v8 =	vld.idx.msk [tilespmem:v5+s5+$0x0], $0xffff  }
0x138: {  	v5 =	vld.idx.msk [tilespmem:v3+s5+$0x0], $0xffff  }
.Ltmp6:
0x139: {  	v3 =	vld.idx.msk [tilespmem:v0+s5+$0x0], $0xffff;
	(pc) =	sbr.rel @p0 .LBB2_15-.Ltmp6, $4  }
0x13a: {  	v0 =	vld.idx.msk [tilespmem:v1+s5+$0x0], $0xffff  }
0x13b: {  	s25 =	sadd.s32 $0x80, s25;
	v1 =	vld.idx.msk [tilespmem:v2+s5+$0x0], $0xffff  }
0x13c: {  	v2 =	vld.idx.msk [tilespmem:v4+s5+$0x0], $0xffff;
	[tilespmem:s25+$0x30] =	vst v6  }
0x13d: {  	s28 =	sadd.s32 $0x80, s28;
	v4 =	vld.idx.msk [tilespmem:v7+s5+$0x0], $0xffff;
	[tilespmem:s25+$0xFFFFFFD0] =	vst v8  }
0x13e: {  	[tilespmem:s25+$0xFFFFFFE0] =	vst v5  }
0x13f: {  	[tilespmem:s25+$0xFFFFFFF0] =	vst v3  }
0x140: {  	[tilespmem:s25+$0x0] =	vst v0  }
0x141: {  	[tilespmem:s25+$0x10] =	vst v1  }
0x142: {  	[tilespmem:s25+$0x20] =	vst v2  }
0x143: {  	s30 =	sadd.s32 s24, s12;
	[tilespmem:s25+$0xFFFFFFC0] =	vst v4  }
0x144: {  	[hbm4b:s30+s15] =	stream.strided.scatter [tilespmem:s18], [sflag:$0x3], $0x800, s16, s15, $0x38;
	[tilespmem:$0x1D700] =	vst v63  }
0x145: {  	_ =	swait.ge [sflag:s21], $0x800  }
0x146: {  	[sflag:s21] =	ssyncset.done $0x0  }
0x147: {  	s31 =	simm.s32 $0x1BF70;
	[sflag:s21] =	ssyncadd.s32 $0xFFFFF800  }
0x148: {  	v0 =	vld [tilespmem:s31+$0x0]  }
0x149: {  	v1 =	vld [tilespmem:s31+$0xFFFFFFA0]  }
0x14a: {  	v2 =	vld [tilespmem:s31+$0xFFFFFFB0]  }
0x14b: {  	v3 =	vld [tilespmem:s31+$0xFFFFFFC0]  }
0x14c: {  	v4 =	vld [tilespmem:s31+$0xFFFFFFD0]  }
0x14d: {  	v6 =	vld [tilespmem:s31+$0xFFFFFFE0]  }
0x14e: {  	v7 =	vld [tilespmem:s31+$0xFFFFFFF0]  }
0x14f: {  	v8 =	vld [tilespmem:s31+$0xFFFFFF90]  }
0x150: {  	v9 =	vld.idx.msk [tilespmem:v0+s5+$0x0], $0xffff  }
0x151: {  	v10 =	vld.idx.msk [tilespmem:v1+s5+$0x0], $0xffff  }
0x152: {  	v5 =	vld.idx.msk [tilespmem:v2+s5+$0x0], $0xffff  }
0x153: {  	v3 =	vld.idx.msk [tilespmem:v3+s5+$0x0], $0xffff  }
0x154: {  	v0 =	vld.idx.msk [tilespmem:v4+s5+$0x0], $0xffff  }
0x155: {  	s25 =	simm.s32 $0x1CF40;
	v1 =	vld.idx.msk [tilespmem:v6+s5+$0x0], $0xffff  }
0x156: {  	v2 =	vld.idx.msk [tilespmem:v7+s5+$0x0], $0xffff;
	[tilespmem:s25+$0x30] =	vst v9  }
0x157: {  	s26 =	simm.s32 $0x0;
	s28 =	simm.s32 $0x1BFF0;
	v4 =	vld.idx.msk [tilespmem:v8+s5+$0x0], $0xffff;
	[tilespmem:s25+$0xFFFFFFD0] =	vst v10  }
.LBB2_17:
0x158: {  	v6 =	vld [tilespmem:s28+$0x0];
	s26 =	sadd.s32 $0x8, s26;
	[tilespmem:s25+$0xFFFFFFE0] =	vst v5  }
0x159: {  	v5 =	vld [tilespmem:s28+$0xFFFFFFA0];
	p0 =	slt.u32 s26, $0x78;
	[tilespmem:s25+$0xFFFFFFF0] =	vst v3  }
0x15a: {  	v3 =	vld [tilespmem:s28+$0xFFFFFFB0];
	[tilespmem:s25+$0x0] =	vst v0  }
0x15b: {  	v0 =	vld [tilespmem:s28+$0xFFFFFFC0];
	[tilespmem:s25+$0x10] =	vst v1  }
0x15c: {  	v1 =	vld [tilespmem:s28+$0xFFFFFFD0];
	[tilespmem:s25+$0x20] =	vst v2  }
0x15d: {  	v2 =	vld [tilespmem:s28+$0xFFFFFFE0];
	[tilespmem:s25+$0xFFFFFFC0] =	vst v4  }
0x15e: {  	v4 =	vld [tilespmem:s28+$0xFFFFFFF0]  }
0x15f: {  	v7 =	vld [tilespmem:s28+$0xFFFFFF90]  }
0x160: {  	v6 =	vld.idx.msk [tilespmem:v6+s5+$0x0], $0xffff  }
0x161: {  	v8 =	vld.idx.msk [tilespmem:v5+s5+$0x0], $0xffff  }
0x162: {  	v5 =	vld.idx.msk [tilespmem:v3+s5+$0x0], $0xffff  }
.Ltmp7:
0x163: {  	v3 =	vld.idx.msk [tilespmem:v0+s5+$0x0], $0xffff;
	(pc) =	sbr.rel @p0 .LBB2_17-.Ltmp7, $4  }
0x164: {  	v0 =	vld.idx.msk [tilespmem:v1+s5+$0x0], $0xffff  }
0x165: {  	s25 =	sadd.s32 $0x80, s25;
	v1 =	vld.idx.msk [tilespmem:v2+s5+$0x0], $0xffff  }
0x166: {  	v2 =	vld.idx.msk [tilespmem:v4+s5+$0x0], $0xffff;
	[tilespmem:s25+$0x30] =	vst v6  }
0x167: {  	s28 =	sadd.s32 $0x80, s28;
	v4 =	vld.idx.msk [tilespmem:v7+s5+$0x0], $0xffff;
	[tilespmem:s25+$0xFFFFFFD0] =	vst v8  }
0x168: {  	[tilespmem:s25+$0xFFFFFFE0] =	vst v5  }
0x169: {  	[tilespmem:s25+$0xFFFFFFF0] =	vst v3  }
0x16a: {  	[tilespmem:s25+$0x0] =	vst v0  }
0x16b: {  	[tilespmem:s25+$0x10] =	vst v1  }
0x16c: {  	[tilespmem:s25+$0x20] =	vst v2  }
0x16d: {  	s24 =	sadd.s32 s24, s13;
	s23 =	sadd.s32 $0x1, s23;
	[tilespmem:s25+$0xFFFFFFC0] =	vst v4  }
0x16e: {  	[hbm4b:s24+s15] =	stream.strided.scatter [tilespmem:s19], [sflag:$0x4], $0x800, s16, s15, $0x38;
	[tilespmem:$0x1D700] =	vst v63  }
0x16f: {  	p0 =	sne.s32 s23, $0x1A;
	_ =	swait.ge [sflag:s20], $0x800  }
.Ltmp8:
0x170: {  	[sflag:s20] =	ssyncset.done $0x0;
	(pc) =	sbr.rel @p0 .LBB2_2-.Ltmp8, $4  }
0x171: {  	[sflag:s20] =	ssyncadd.s32 $0xFFFFF800  }
0x172: {  	_ =	swait.ge [sflag:s21], $0x800  }
0x173: {  	[sflag:s21] =	ssyncset.done $0x0  }
0x174: {  	[sflag:s21] =	ssyncadd.s32 $0xFFFFF800  }
0x175: {  	s22 =	sadd.s32 $0x1, s22  }
0x176: {  	p0 =	sne.s32 s22, s14  }
.Ltmp9:
0x177: {  	_ = 	snop;
	(pc) =	sbr.rel @p0 .LBB2_1-.Ltmp9, $1  }
0x178: {  	_ =	sdelay $0x3  }
0x179: {  	_ =	sfence.sel $0x180000  }
0x17a: {  	[bflag:$0x0] =	sbarrier.arrive $0xFFFF  }
0x17b: {  	p0 =	sne.s32 s3, $0x0;
	_ =	strace $0x90000047  }
0x17c: {  	s0 =	sadd.s32 @!p0 $0x100000, s0;
	[bflag:$0x2] =	sbarrier.arrive $0xFFFF  }
0x17d: {  	[sflag:s0] =	ssyncadd.tile.s32 @!p0 $0x1;
	_ =	shalt  }
.Lfunc_end2:
_tile_overlayer_lowered:
.L_overlay_start_2:
0x17e: {  	(tag) =	ssettag $0x2  }
0x17f: {  	s0 =	rddreg [dreg:$0x0];
	s2 =	stileid.u32  }
0x180: {  	s1 =	rddreg [dreg:$0x1];
	p0 =	sne.s32 s2, $0x0  }
0x181: {  	s3 =	rddreg [dreg:$0x2];
	[bflag:$0x3] =	sbarrier.arrive $0xFFFF;
	s2 =	simm.s32 @!p0 $0x1C05  }
0x182: {  	[timem:s3], [sflag:s2] =	dma.local @!p0 [hbm:s0], s1  }
0x183: {  	s0 =	simm.s32 @!p0 $0x5  }
0x184: {  	_ =	swait.ge @!p0 [sflag:s0], s1  }
0x185: {  	s1 =	ssub.s32 @!p0 $0x0, s1;
	[sflag:s0] =	ssyncset.done @!p0 $0x0  }
0x186: {  	[sflag:s0] =	ssyncadd.s32 @!p0 s1  }
0x187: {  	[bflag:$0x3] =	sbarrier.arrive $0xFFFF  }
0x188: {  	_ =	shalt  }

</sc_bundles>
